<compile_context>
chip_gen: v7x
topology: tpu7x:2x2x1
jax: 0.10.2.dev20260603
libtpu: 0.0.44.dev20260713+nightly
codegen_flags: <defaults>
</compile_context>

<pallas_src>
import functools

import jax
import jax.numpy as jnp
from jax import lax
from jax.experimental import pallas as pl
from jax.experimental.pallas import tpu as pltpu
from jax.experimental.pallas import tpu_sc as plsc

BATCH = 4096
DIM = 64
WIDE = 128
NUM_CORES = 2
NUM_SUBCORES = 16
NUM_WORKERS = NUM_CORES * NUM_SUBCORES
ROWS_PER_WORKER = BATCH // NUM_WORKERS
LANES = 16
ROWS_PER_BLOCK = 512


def _sc_gather(user_ids, item_ids, uemb, iemb, ubias128, ibias128):
    mesh = plsc.VectorSubcoreMesh(core_axis_name="c", subcore_axis_name="s")
    out_type = (
        jax.ShapeDtypeStruct((BATCH, DIM), jnp.float32),
        jax.ShapeDtypeStruct((BATCH, DIM), jnp.float32),
        jax.ShapeDtypeStruct((BATCH,), jnp.float32),
    )

    @functools.partial(
        pl.kernel,
        mesh=mesh,
        out_type=out_type,
        compiler_params=pltpu.CompilerParams(
            use_tc_tiling_on_sc=True, needs_layout_passes=False),
        scratch_types=[
            pltpu.VMEM((ROWS_PER_WORKER,), jnp.int32),
            pltpu.VMEM((ROWS_PER_WORKER,), jnp.int32),
            pltpu.VMEM((ROWS_PER_WORKER,), jnp.int32),
            pltpu.VMEM((ROWS_PER_WORKER,), jnp.int32),
            pltpu.VMEM((ROWS_PER_WORKER, DIM), jnp.float32),
            pltpu.VMEM((ROWS_PER_WORKER, DIM), jnp.float32),
            pltpu.VMEM((ROWS_PER_WORKER, WIDE), jnp.float32),
            pltpu.VMEM((ROWS_PER_WORKER, WIDE), jnp.float32),
            pltpu.VMEM((ROWS_PER_WORKER,), jnp.float32),
            pltpu.SemaphoreType.DMA,
            pltpu.SemaphoreType.DMA,
        ],
    )
    def k(uid_hbm, iid_hbm, uemb_hbm, iemb_hbm, ub_hbm, ib_hbm,
          urows_out, irows_out, b_out,
          uidx_v, iidx_v, ubrow_v, ibrow_v,
          urows_v, irows_v, ubrows_v, ibrows_v, bsel_v, sem, bsem):
        wid = lax.axis_index("s") * NUM_CORES + lax.axis_index("c")
        base = wid * ROWS_PER_WORKER
        pltpu.sync_copy(uid_hbm.at[pl.ds(base, ROWS_PER_WORKER)], uidx_v)
        pltpu.sync_copy(iid_hbm.at[pl.ds(base, ROWS_PER_WORKER)], iidx_v)

        @pl.loop(0, ROWS_PER_WORKER, step=LANES)
        def _(o):
            sl = pl.ds(o, LANES)
            ubrow_v[sl] = lax.shift_right_logical(uidx_v[sl], 7)
            ibrow_v[sl] = lax.shift_right_logical(iidx_v[sl], 7)

        cb1 = pltpu.async_copy(ub_hbm.at[ubrow_v], ubrows_v, bsem)
        cb2 = pltpu.async_copy(ib_hbm.at[ibrow_v], ibrows_v, bsem)

        @pl.loop(0, ROWS_PER_WORKER, step=LANES)
        def _(o):
            uv = uidx_v[pl.ds(o, LANES)]
            iv = iidx_v[pl.ds(o, LANES)]
            for jj in range(LANES):
                pltpu.async_copy(uemb_hbm.at[pl.ds(uv[jj], 1)],
                                 urows_v.at[pl.ds(o + jj, 1)], sem)
                pltpu.async_copy(iemb_hbm.at[pl.ds(iv[jj], 1)],
                                 irows_v.at[pl.ds(o + jj, 1)], sem)

        pltpu.make_async_copy(
            uemb_hbm.at[pl.ds(0, ROWS_PER_WORKER)], urows_v, sem).wait()
        pltpu.make_async_copy(
            iemb_hbm.at[pl.ds(0, ROWS_PER_WORKER)], irows_v, sem).wait()
        cb1.wait()
        cb2.wait()

        @pl.loop(0, ROWS_PER_WORKER, step=LANES)
        def _(o):
            sl = pl.ds(o, LANES)
            row_idx = o + lax.iota(jnp.int32, 16)
            ug = plsc.load_gather(
                ubrows_v, [row_idx, uidx_v[sl] & (WIDE - 1)])
            ig = plsc.load_gather(
                ibrows_v, [row_idx, iidx_v[sl] & (WIDE - 1)])
            bsel_v[sl] = ug + ig

        pltpu.sync_copy(urows_v, urows_out.at[pl.ds(base, ROWS_PER_WORKER)])
        pltpu.sync_copy(irows_v, irows_out.at[pl.ds(base, ROWS_PER_WORKER)])
        pltpu.sync_copy(bsel_v, b_out.at[pl.ds(base, ROWS_PER_WORKER)])

    return k(user_ids, item_ids, uemb, iemb, ubias128, ibias128)


def _tc_body(u_ref, i_ref, b_ref, out_ref, dot_ref):
    @pl.when(pl.program_id(0) == 0)
    def _():
        dot_ref[...] = jnp.sum(
            u_ref[...] * i_ref[...], axis=1).reshape(1, BATCH)
    out_ref[...] = dot_ref[...] + b_ref[...]


def _tc_broadcast(urows, irows, bias):
    grid = (BATCH // ROWS_PER_BLOCK,)
    return pl.pallas_call(
        _tc_body,
        grid=grid,
        in_specs=[
            pl.BlockSpec((BATCH, DIM), lambda i: (0, 0)),
            pl.BlockSpec((BATCH, DIM), lambda i: (0, 0)),
            pl.BlockSpec((ROWS_PER_BLOCK, 1), lambda i: (i, 0)),
        ],
        out_specs=pl.BlockSpec((ROWS_PER_BLOCK, BATCH), lambda i: (i, 0)),
        out_shape=jax.ShapeDtypeStruct((BATCH, BATCH), jnp.float32),
        scratch_shapes=[pltpu.VMEM((1, BATCH), jnp.float32)],
    )(urows, irows, bias)


def kernel(user_ids, item_ids, user_emb_table, item_emb_table,
           user_bias_table, item_bias_table):
    def pad128(t):
        n = t.shape[0]
        pad = (-n) % WIDE
        flat = t.reshape(-1)
        if pad:
            flat = jnp.pad(flat, (0, pad))
        return flat.reshape(-1, WIDE)

    ubias128 = pad128(user_bias_table)
    ibias128 = pad128(item_bias_table)
    urows, irows, bias = _sc_gather(
        user_ids, item_ids, user_emb_table, item_emb_table,
        ubias128, ibias128)
    return _tc_broadcast(urows, irows, bias.reshape(BATCH, 1))

# --- scband reference (transcript-rebuilt; emitter-appended) ---
"""Pipeline reference for scband-bilinear-net-46119358824685 (READ-ONLY COPY).

The authoritative reference and input builder live on the scoring server;
editing this copy changes nothing except your own understanding.
"""

import jax, jax.numpy as jnp
import numpy as np

NUM_USERS = 100000
NUM_ITEMS = 100000
EMBED_DIM = 64
BATCH = 4096

def setup_inputs(seed: int = 0) -> dict:
    key = jax.random.key(seed)
    k1, k2, k3, k4 = jax.random.split(key, 4)
    user_ids = jax.random.randint(k1, (BATCH,), 0, NUM_USERS, dtype=jnp.int64 if jax.config.jax_enable_x64 else jnp.int32).astype(jnp.int32)
    item_ids = jax.random.randint(k2, (BATCH,), 0, NUM_ITEMS, dtype=jnp.int32)
    # ScaledEmbedding: normal init scaled by 1/embedding_dim
    user_emb_table = jax.random.normal(k3, (NUM_USERS, EMBED_DIM), dtype=jnp.float32) / EMBED_DIM
    item_emb_table = jax.random.normal(k4, (NUM_ITEMS, EMBED_DIM), dtype=jnp.float32) / EMBED_DIM
    # ZeroEmbedding: zero-initialized bias tables
    user_bias_table = jnp.zeros((NUM_USERS, 1), dtype=jnp.float32)
    item_bias_table = jnp.zeros((NUM_ITEMS, 1), dtype=jnp.float32)
    return {
        "user_ids": user_ids,
        "item_ids": item_ids,
        "user_emb_table": user_emb_table,
        "item_emb_table": item_emb_table,
        "user_bias_table": user_bias_table,
        "item_bias_table": item_bias_table,
    }

def reference(user_ids, item_ids, user_emb_table, item_emb_table, user_bias_table, item_bias_table):
    user_embedding = jnp.take(user_emb_table, user_ids, axis=0)
    item_embedding = jnp.take(item_emb_table, item_ids, axis=0)
    user_embedding = user_embedding.reshape(-1, EMBED_DIM)
    item_embedding = item_embedding.reshape(-1, EMBED_DIM)
    user_bias = jnp.take(user_bias_table, user_ids, axis=0).reshape(-1, 1)
    item_bias = jnp.take(item_bias_table, item_ids, axis=0).reshape(-1, 1)
    dot = (user_embedding * item_embedding).sum(1)
    # Faithful to torch: dot [B] + user_bias [B,1] broadcasts to [B,B]
    return dot + user_bias + item_bias

if __name__ == "__main__":
    import jax
    _d = setup_inputs()
    print(jax.jit(kernel)(*tuple(_d.values())))

</pallas_src>

<mosaic_0001>
#map = affine_map<(d0, d1) -> (0)>
#map1 = affine_map<(d0, d1) -> (0, 0)>
module attributes {stable_mosaic.version = 14 : i64} {
  func.func @k(%arg0: i32, %arg1: i32, %arg2: memref<4096xi32, #tpu.memory_space<hbm>>, %arg3: memref<4096xi32, #tpu.memory_space<hbm>>, %arg4: memref<100000x64xf32, #tpu.memory_space<hbm>>, %arg5: memref<100000x64xf32, #tpu.memory_space<hbm>>, %arg6: memref<782x128xf32, #tpu.memory_space<hbm>>, %arg7: memref<782x128xf32, #tpu.memory_space<hbm>>, %arg8: memref<4096x64xf32, #tpu.memory_space<hbm>>, %arg9: memref<4096x64xf32, #tpu.memory_space<hbm>>, %arg10: memref<4096xf32, #tpu.memory_space<hbm>>, %arg11: memref<128xi32, #tpu.memory_space<vmem>>, %arg12: memref<128xi32, #tpu.memory_space<vmem>>, %arg13: memref<128xi32, #tpu.memory_space<vmem>>, %arg14: memref<128xi32, #tpu.memory_space<vmem>>, %arg15: memref<128x64xf32, #tpu.memory_space<vmem>>, %arg16: memref<128x64xf32, #tpu.memory_space<vmem>>, %arg17: memref<128x128xf32, #tpu.memory_space<vmem>>, %arg18: memref<128x128xf32, #tpu.memory_space<vmem>>, %arg19: memref<128xf32, #tpu.memory_space<vmem>>, %arg20: memref<!tpu.dma_semaphore, #tpu.memory_space<semaphore_mem>>, %arg21: memref<!tpu.dma_semaphore, #tpu.memory_space<semaphore_mem>>) attributes {dimension_semantics = [#tpu.dimension_semantics<core_parallel>, #tpu.dimension_semantics<subcore_parallel>], iteration_bounds = array<i64: 2, 16>, scalar_prefetch = 0 : i64, scratch_operands = 11 : i64, tpu.core_type = #tpu.core_type<sc_vector_subcore>, window_params = [{transform_indices = #map}, {transform_indices = #map}, {transform_indices = #map1}, {transform_indices = #map1}, {transform_indices = #map1}, {transform_indices = #map1}, {transform_indices = #map1}, {transform_indices = #map1}, {transform_indices = #map}]} {
    %mul3A = arith.constant 2 : i32
    %mul3A_0 = arith.muli %arg1, %mul3A : i32
    %add3A = arith.addi %mul3A_0, %arg0 : i32
    %mul3A_1 = arith.constant 128 : i32
    %mul3A_2 = arith.muli %add3A, %mul3A_1 : i32
    "tpu.region"() ({
      %run_scoped3A = tpu.sem_alloc : memref<!tpu.dma_semaphore, #tpu.memory_space<semaphore_mem>>
      %dma_start3A_39 = tpu.memref_slice %arg2[%mul3A_2] : memref<4096xi32, #tpu.memory_space<hbm>> -> memref<128xi32, #tpu.memory_space<hbm>>
      %dma_start3A_40 = tpu.memref_slice %arg2[%mul3A_2] : memref<4096xi32, #tpu.memory_space<hbm>> -> memref<128xi32, #tpu.memory_space<hbm>>
      tpu.enqueue_dma source(%dma_start3A_40 : memref<128xi32, #tpu.memory_space<hbm>>) target(%arg11 : memref<128xi32, #tpu.memory_space<vmem>>) target_semaphore(%run_scoped3A : memref<!tpu.dma_semaphore, #tpu.memory_space<semaphore_mem>>)
      %dma_wait3A_41 = tpu.memref_slice %arg2[%mul3A_2] : memref<4096xi32, #tpu.memory_space<hbm>> -> memref<128xi32, #tpu.memory_space<hbm>>
      %dma_wait3A_42 = tpu.memref_slice %arg2[%mul3A_2] : memref<4096xi32, #tpu.memory_space<hbm>> -> memref<128xi32, #tpu.memory_space<hbm>>
      tpu.wait_dma2 semaphore(%run_scoped3A : memref<!tpu.dma_semaphore, #tpu.memory_space<semaphore_mem>>) src(%dma_wait3A_42 : memref<128xi32, #tpu.memory_space<hbm>>) dst(%arg11 : memref<128xi32, #tpu.memory_space<vmem>>)
      tpu.yield
    }) : () -> ()
    "tpu.region"() ({
      %run_scoped3A = tpu.sem_alloc : memref<!tpu.dma_semaphore, #tpu.memory_space<semaphore_mem>>
      %dma_start3A_39 = tpu.memref_slice %arg3[%mul3A_2] : memref<4096xi32, #tpu.memory_space<hbm>> -> memref<128xi32, #tpu.memory_space<hbm>>
      %dma_start3A_40 = tpu.memref_slice %arg3[%mul3A_2] : memref<4096xi32, #tpu.memory_space<hbm>> -> memref<128xi32, #tpu.memory_space<hbm>>
      tpu.enqueue_dma source(%dma_start3A_40 : memref<128xi32, #tpu.memory_space<hbm>>) target(%arg12 : memref<128xi32, #tpu.memory_space<vmem>>) target_semaphore(%run_scoped3A : memref<!tpu.dma_semaphore, #tpu.memory_space<semaphore_mem>>)
      %dma_wait3A_41 = tpu.memref_slice %arg3[%mul3A_2] : memref<4096xi32, #tpu.memory_space<hbm>> -> memref<128xi32, #tpu.memory_space<hbm>>
      %dma_wait3A_42 = tpu.memref_slice %arg3[%mul3A_2] : memref<4096xi32, #tpu.memory_space<hbm>> -> memref<128xi32, #tpu.memory_space<hbm>>
      tpu.wait_dma2 semaphore(%run_scoped3A : memref<!tpu.dma_semaphore, #tpu.memory_space<semaphore_mem>>) src(%dma_wait3A_42 : memref<128xi32, #tpu.memory_space<hbm>>) dst(%arg12 : memref<128xi32, #tpu.memory_space<vmem>>)
      tpu.yield
    }) : () -> ()
    %scan3A = arith.constant 0 : i32
    %scan3A_3 = arith.constant 8 : i32
    %scan3A_4 = arith.addi %scan3A, %scan3A_3 : i32
    %scan3A_5 = arith.constant 1 : i32
    scf.for %scan3A_39 = %scan3A to %scan3A_4 step %scan3A_5  : i32 {
      %mul3A_40 = arith.constant 16 : i32
      %mul3A_41 = arith.muli %scan3A_39, %mul3A_40 : i32
      %add3A_42 = arith.constant 0 : i32
      %add3A_43 = arith.addi %add3A_42, %mul3A_41 : i32
      %get3A = arith.index_cast %add3A_43 : i32 to index
      %get3A_44 = tpu.vector_load %arg11[%get3A] {strides = array<i32>} : memref<128xi32, #tpu.memory_space<vmem>>, vector<16xi32>,
      %shift_right_logical3A = arith.constant 7 : i32
      %shift_right_logical3A_45 = vector.broadcast %shift_right_logical3A : i32 to vector<16xi32>
      %shift_right_logical3A_46 = arith.shrui %get3A_44, %shift_right_logical3A_45 : vector<16xi32>
      %swap3A = arith.index_cast %add3A_43 : i32 to index
      %swap3A_47 = tpu.vector_load %arg13[%swap3A] {strides = array<i32>} : memref<128xi32, #tpu.memory_space<vmem>>, vector<16xi32>,
      tpu.vector_store %arg13[%swap3A], %shift_right_logical3A_46 {strides = array<i32>} : memref<128xi32, #tpu.memory_space<vmem>>, vector<16xi32>,
      %get3A_48 = arith.index_cast %add3A_43 : i32 to index
      %get3A_49 = tpu.vector_load %arg12[%get3A_48] {strides = array<i32>} : memref<128xi32, #tpu.memory_space<vmem>>, vector<16xi32>,
      %shift_right_logical3A_50 = arith.constant 7 : i32
      %shift_right_logical3A_51 = vector.broadcast %shift_right_logical3A_50 : i32 to vector<16xi32>
      %shift_right_logical3A_52 = arith.shrui %get3A_49, %shift_right_logical3A_51 : vector<16xi32>
      %swap3A_53 = arith.index_cast %add3A_43 : i32 to index
      %swap3A_54 = tpu.vector_load %arg14[%swap3A_53] {strides = array<i32>} : memref<128xi32, #tpu.memory_space<vmem>>, vector<16xi32>,
      tpu.vector_store %arg14[%swap3A_53], %shift_right_logical3A_52 {strides = array<i32>} : memref<128xi32, #tpu.memory_space<vmem>>, vector<16xi32>,
    }
    %scan3A_6 = arith.constant 8 : i32
    %dma_start3A = arith.constant 0 : i32
    %dma_start3A_7 = arith.constant 0 : i32
    %dma_start3A_8 = tpu.memref_slice %arg6[%dma_start3A, %dma_start3A_7] : memref<782x128xf32, #tpu.memory_space<hbm>> -> memref<782x128xf32, #tpu.memory_space<hbm>>
    tpu.enqueue_indirect_dma source(%dma_start3A_8 : memref<782x128xf32, #tpu.memory_space<hbm>>) target(%arg17 : memref<128x128xf32, #tpu.memory_space<vmem>>) offsets(%arg13 : memref<128xi32, #tpu.memory_space<vmem>>) semaphore(%arg21 : memref<!tpu.dma_semaphore, #tpu.memory_space<semaphore_mem>>)
    %dma_start3A_9 = arith.constant 0 : i32
    %dma_start3A_10 = arith.constant 0 : i32
    %dma_start3A_11 = tpu.memref_slice %arg7[%dma_start3A_9, %dma_start3A_10] : memref<782x128xf32, #tpu.memory_space<hbm>> -> memref<782x128xf32, #tpu.memory_space<hbm>>
    tpu.enqueue_indirect_dma source(%dma_start3A_11 : memref<782x128xf32, #tpu.memory_space<hbm>>) target(%arg18 : memref<128x128xf32, #tpu.memory_space<vmem>>) offsets(%arg14 : memref<128xi32, #tpu.memory_space<vmem>>) semaphore(%arg21 : memref<!tpu.dma_semaphore, #tpu.memory_space<semaphore_mem>>)
    %scan3A_12 = arith.constant 0 : i32
    %scan3A_13 = arith.constant 8 : i32
    %scan3A_14 = arith.addi %scan3A_12, %scan3A_13 : i32
    %scan3A_15 = arith.constant 1 : i32
    scf.for %scan3A_39 = %scan3A_12 to %scan3A_14 step %scan3A_15  : i32 {
      %mul3A_40 = arith.constant 16 : i32
      %mul3A_41 = arith.muli %scan3A_39, %mul3A_40 : i32
      %add3A_42 = arith.constant 0 : i32
      %add3A_43 = arith.addi %add3A_42, %mul3A_41 : i32
      %get3A = arith.index_cast %add3A_43 : i32 to index
      %get3A_44 = tpu.vector_load %arg11[%get3A] {strides = array<i32>} : memref<128xi32, #tpu.memory_space<vmem>>, vector<16xi32>,
      %get3A_45 = arith.index_cast %add3A_43 : i32 to index
      %get3A_46 = tpu.vector_load %arg12[%get3A_45] {strides = array<i32>} : memref<128xi32, #tpu.memory_space<vmem>>, vector<16xi32>,
      %slice3A = vector.extract_strided_slice %get3A_44 {offsets = [0], sizes = [1], strides = [1]} : vector<16xi32> to vector<1xi32>
      %squeeze3A = vector.extract %slice3A[0] : i32 from vector<1xi32>
      %add3A_47 = arith.constant 0 : i32
      %add3A_48 = arith.addi %add3A_43, %add3A_47 : i32
      %dma_start3A_49 = arith.constant 0 : i32
      %dma_start3A_50 = tpu.memref_slice %arg15[%add3A_48, %dma_start3A_49] : memref<128x64xf32, #tpu.memory_space<vmem>> -> memref<1x64xf32, #tpu.memory_space<vmem>>
      %dma_start3A_51 = arith.constant 0 : i32
      %dma_start3A_52 = tpu.memref_slice %arg4[%squeeze3A, %dma_start3A_51] : memref<100000x64xf32, #tpu.memory_space<hbm>> -> memref<1x64xf32, #tpu.memory_space<hbm>>
      %dma_start3A_53 = arith.constant 0 : i32
      %dma_start3A_54 = tpu.memref_slice %arg15[%add3A_48, %dma_start3A_53] : memref<128x64xf32, #tpu.memory_space<vmem>> -> memref<1x64xf32, #tpu.memory_space<vmem>>
      %dma_start3A_55 = arith.constant 0 : i32
      %dma_start3A_56 = tpu.memref_slice %arg4[%squeeze3A, %dma_start3A_55] : memref<100000x64xf32, #tpu.memory_space<hbm>> -> memref<1x64xf32, #tpu.memory_space<hbm>>
      tpu.enqueue_dma source(%dma_start3A_56 : memref<1x64xf32, #tpu.memory_space<hbm>>) target(%dma_start3A_54 : memref<1x64xf32, #tpu.memory_space<vmem>>) target_semaphore(%arg20 : memref<!tpu.dma_semaphore, #tpu.memory_space<semaphore_mem>>)
      %slice3A_57 = vector.extract_strided_slice %get3A_46 {offsets = [0], sizes = [1], strides = [1]} : vector<16xi32> to vector<1xi32>
      %squeeze3A_58 = vector.extract %slice3A_57[0] : i32 from vector<1xi32>
      %add3A_59 = arith.constant 0 : i32
      %add3A_60 = arith.addi %add3A_43, %add3A_59 : i32
      %dma_start3A_61 = arith.constant 0 : i32
      %dma_start3A_62 = tpu.memref_slice %arg16[%add3A_60, %dma_start3A_61] : memref<128x64xf32, #tpu.memory_space<vmem>> -> memref<1x64xf32, #tpu.memory_space<vmem>>
      %dma_start3A_63 = arith.constant 0 : i32
      %dma_start3A_64 = tpu.memref_slice %arg5[%squeeze3A_58, %dma_start3A_63] : memref<100000x64xf32, #tpu.memory_space<hbm>> -> memref<1x64xf32, #tpu.memory_space<hbm>>
      %dma_start3A_65 = arith.constant 0 : i32
      %dma_start3A_66 = tpu.memref_slice %arg16[%add3A_60, %dma_start3A_65] : memref<128x64xf32, #tpu.memory_space<vmem>> -> memref<1x64xf32, #tpu.memory_space<vmem>>
      %dma_start3A_67 = arith.constant 0 : i32
      %dma_start3A_68 = tpu.memref_slice %arg5[%squeeze3A_58, %dma_start3A_67] : memref<100000x64xf32, #tpu.memory_space<hbm>> -> memref<1x64xf32, #tpu.memory_space<hbm>>
      tpu.enqueue_dma source(%dma_start3A_68 : memref<1x64xf32, #tpu.memory_space<hbm>>) target(%dma_start3A_66 : memref<1x64xf32, #tpu.memory_space<vmem>>) target_semaphore(%arg20 : memref<!tpu.dma_semaphore, #tpu.memory_space<semaphore_mem>>)
      %slice3A_69 = vector.extract_strided_slice %get3A_44 {offsets = [1], sizes = [1], strides = [1]} : vector<16xi32> to vector<1xi32>
      %squeeze3A_70 = vector.extract %slice3A_69[0] : i32 from vector<1xi32>
      %add3A_71 = arith.constant 1 : i32
      %add3A_72 = arith.addi %add3A_43, %add3A_71 : i32
      %dma_start3A_73 = arith.constant 0 : i32
      %dma_start3A_74 = tpu.memref_slice %arg15[%add3A_72, %dma_start3A_73] : memref<128x64xf32, #tpu.memory_space<vmem>> -> memref<1x64xf32, #tpu.memory_space<vmem>>
      %dma_start3A_75 = arith.constant 0 : i32
      %dma_start3A_76 = tpu.memref_slice %arg4[%squeeze3A_70, %dma_start3A_75] : memref<100000x64xf32, #tpu.memory_space<hbm>> -> memref<1x64xf32, #tpu.memory_space<hbm>>
      %dma_start3A_77 = arith.constant 0 : i32
      %dma_start3A_78 = tpu.memref_slice %arg15[%add3A_72, %dma_start3A_77] : memref<128x64xf32, #tpu.memory_space<vmem>> -> memref<1x64xf32, #tpu.memory_space<vmem>>
      %dma_start3A_79 = arith.constant 0 : i32
      %dma_start3A_80 = tpu.memref_slice %arg4[%squeeze3A_70, %dma_start3A_79] : memref<100000x64xf32, #tpu.memory_space<hbm>> -> memref<1x64xf32, #tpu.memory_space<hbm>>
      tpu.enqueue_dma source(%dma_start3A_80 : memref<1x64xf32, #tpu.memory_space<hbm>>) target(%dma_start3A_78 : memref<1x64xf32, #tpu.memory_space<vmem>>) target_semaphore(%arg20 : memref<!tpu.dma_semaphore, #tpu.memory_space<semaphore_mem>>)
      %slice3A_81 = vector.extract_strided_slice %get3A_46 {offsets = [1], sizes = [1], strides = [1]} : vector<16xi32> to vector<1xi32>
      %squeeze3A_82 = vector.extract %slice3A_81[0] : i32 from vector<1xi32>
      %add3A_83 = arith.constant 1 : i32
      %add3A_84 = arith.addi %add3A_43, %add3A_83 : i32
      %dma_start3A_85 = arith.constant 0 : i32
      %dma_start3A_86 = tpu.memref_slice %arg16[%add3A_84, %dma_start3A_85] : memref<128x64xf32, #tpu.memory_space<vmem>> -> memref<1x64xf32, #tpu.memory_space<vmem>>
      %dma_start3A_87 = arith.constant 0 : i32
      %dma_start3A_88 = tpu.memref_slice %arg5[%squeeze3A_82, %dma_start3A_87] : memref<100000x64xf32, #tpu.memory_space<hbm>> -> memref<1x64xf32, #tpu.memory_space<hbm>>
      %dma_start3A_89 = arith.constant 0 : i32
      %dma_start3A_90 = tpu.memref_slice %arg16[%add3A_84, %dma_start3A_89] : memref<128x64xf32, #tpu.memory_space<vmem>> -> memref<1x64xf32, #tpu.memory_space<vmem>>
      %dma_start3A_91 = arith.constant 0 : i32
      %dma_start3A_92 = tpu.memref_slice %arg5[%squeeze3A_82, %dma_start3A_91] : memref<100000x64xf32, #tpu.memory_space<hbm>> -> memref<1x64xf32, #tpu.memory_space<hbm>>
      tpu.enqueue_dma source(%dma_start3A_92 : memref<1x64xf32, #tpu.memory_space<hbm>>) target(%dma_start3A_90 : memref<1x64xf32, #tpu.memory_space<vmem>>) target_semaphore(%arg20 : memref<!tpu.dma_semaphore, #tpu.memory_space<semaphore_mem>>)
      %slice3A_93 = vector.extract_strided_slice %get3A_44 {offsets = [2], sizes = [1], strides = [1]} : vector<16xi32> to vector<1xi32>
      %squeeze3A_94 = vector.extract %slice3A_93[0] : i32 from vector<1xi32>
      %add3A_95 = arith.constant 2 : i32
      %add3A_96 = arith.addi %add3A_43, %add3A_95 : i32
      %dma_start3A_97 = arith.constant 0 : i32
      %dma_start3A_98 = tpu.memref_slice %arg15[%add3A_96, %dma_start3A_97] : memref<128x64xf32, #tpu.memory_space<vmem>> -> memref<1x64xf32, #tpu.memory_space<vmem>>
      %dma_start3A_99 = arith.constant 0 : i32
      %dma_start3A_100 = tpu.memref_slice %arg4[%squeeze3A_94, %dma_start3A_99] : memref<100000x64xf32, #tpu.memory_space<hbm>> -> memref<1x64xf32, #tpu.memory_space<hbm>>
      %dma_start3A_101 = arith.constant 0 : i32
      %dma_start3A_102 = tpu.memref_slice %arg15[%add3A_96, %dma_start3A_101] : memref<128x64xf32, #tpu.memory_space<vmem>> -> memref<1x64xf32, #tpu.memory_space<vmem>>
      %dma_start3A_103 = arith.constant 0 : i32
      %dma_start3A_104 = tpu.memref_slice %arg4[%squeeze3A_94, %dma_start3A_103] : memref<100000x64xf32, #tpu.memory_space<hbm>> -> memref<1x64xf32, #tpu.memory_space<hbm>>
      tpu.enqueue_dma source(%dma_start3A_104 : memref<1x64xf32, #tpu.memory_space<hbm>>) target(%dma_start3A_102 : memref<1x64xf32, #tpu.memory_space<vmem>>) target_semaphore(%arg20 : memref<!tpu.dma_semaphore, #tpu.memory_space<semaphore_mem>>)
      %slice3A_105 = vector.extract_strided_slice %get3A_46 {offsets = [2], sizes = [1], strides = [1]} : vector<16xi32> to vector<1xi32>
      %squeeze3A_106 = vector.extract %slice3A_105[0] : i32 from vector<1xi32>
      %add3A_107 = arith.constant 2 : i32
      %add3A_108 = arith.addi %add3A_43, %add3A_107 : i32
      %dma_start3A_109 = arith.constant 0 : i32
      %dma_start3A_110 = tpu.memref_slice %arg16[%add3A_108, %dma_start3A_109] : memref<128x64xf32, #tpu.memory_space<vmem>> -> memref<1x64xf32, #tpu.memory_space<vmem>>
      %dma_start3A_111 = arith.constant 0 : i32
      %dma_start3A_112 = tpu.memref_slice %arg5[%squeeze3A_106, %dma_start3A_111] : memref<100000x64xf32, #tpu.memory_space<hbm>> -> memref<1x64xf32, #tpu.memory_space<hbm>>
      %dma_start3A_113 = arith.constant 0 : i32
      %dma_start3A_114 = tpu.memref_slice %arg16[%add3A_108, %dma_start3A_113] : memref<128x64xf32, #tpu.memory_space<vmem>> -> memref<1x64xf32, #tpu.memory_space<vmem>>
      %dma_start3A_115 = arith.constant 0 : i32
      %dma_start3A_116 = tpu.memref_slice %arg5[%squeeze3A_106, %dma_start3A_115] : memref<100000x64xf32, #tpu.memory_space<hbm>> -> memref<1x64xf32, #tpu.memory_space<hbm>>
      tpu.enqueue_dma source(%dma_start3A_116 : memref<1x64xf32, #tpu.memory_space<hbm>>) target(%dma_start3A_114 : memref<1x64xf32, #tpu.memory_space<vmem>>) target_semaphore(%arg20 : memref<!tpu.dma_semaphore, #tpu.memory_space<semaphore_mem>>)
      %slice3A_117 = vector.extract_strided_slice %get3A_44 {offsets = [3], sizes = [1], strides = [1]} : vector<16xi32> to vector<1xi32>
      %squeeze3A_118 = vector.extract %slice3A_117[0] : i32 from vector<1xi32>
      %add3A_119 = arith.constant 3 : i32
      %add3A_120 = arith.addi %add3A_43, %add3A_119 : i32
      %dma_start3A_121 = arith.constant 0 : i32
      %dma_start3A_122 = tpu.memref_slice %arg15[%add3A_120, %dma_start3A_121] : memref<128x64xf32, #tpu.memory_space<vmem>> -> memref<1x64xf32, #tpu.memory_space<vmem>>
      %dma_start3A_123 = arith.constant 0 : i32
      %dma_start3A_124 = tpu.memref_slice %arg4[%squeeze3A_118, %dma_start3A_123] : memref<100000x64xf32, #tpu.memory_space<hbm>> -> memref<1x64xf32, #tpu.memory_space<hbm>>
      %dma_start3A_125 = arith.constant 0 : i32
      %dma_start3A_126 = tpu.memref_slice %arg15[%add3A_120, %dma_start3A_125] : memref<128x64xf32, #tpu.memory_space<vmem>> -> memref<1x64xf32, #tpu.memory_space<vmem>>
      %dma_start3A_127 = arith.constant 0 : i32
      %dma_start3A_128 = tpu.memref_slice %arg4[%squeeze3A_118, %dma_start3A_127] : memref<100000x64xf32, #tpu.memory_space<hbm>> -> memref<1x64xf32, #tpu.memory_space<hbm>>
      tpu.enqueue_dma source(%dma_start3A_128 : memref<1x64xf32, #tpu.memory_space<hbm>>) target(%dma_start3A_126 : memref<1x64xf32, #tpu.memory_space<vmem>>) target_semaphore(%arg20 : memref<!tpu.dma_semaphore, #tpu.memory_space<semaphore_mem>>)
      %slice3A_129 = vector.extract_strided_slice %get3A_46 {offsets = [3], sizes = [1], strides = [1]} : vector<16xi32> to vector<1xi32>
      %squeeze3A_130 = vector.extract %slice3A_129[0] : i32 from vector<1xi32>
      %add3A_131 = arith.constant 3 : i32
      %add3A_132 = arith.addi %add3A_43, %add3A_131 : i32
      %dma_start3A_133 = arith.constant 0 : i32
      %dma_start3A_134 = tpu.memref_slice %arg16[%add3A_132, %dma_start3A_133] : memref<128x64xf32, #tpu.memory_space<vmem>> -> memref<1x64xf32, #tpu.memory_space<vmem>>
      %dma_start3A_135 = arith.constant 0 : i32
      %dma_start3A_136 = tpu.memref_slice %arg5[%squeeze3A_130, %dma_start3A_135] : memref<100000x64xf32, #tpu.memory_space<hbm>> -> memref<1x64xf32, #tpu.memory_space<hbm>>
      %dma_start3A_137 = arith.constant 0 : i32
      %dma_start3A_138 = tpu.memref_slice %arg16[%add3A_132, %dma_start3A_137] : memref<128x64xf32, #tpu.memory_space<vmem>> -> memref<1x64xf32, #tpu.memory_space<vmem>>
      %dma_start3A_139 = arith.constant 0 : i32
      %dma_start3A_140 = tpu.memref_slice %arg5[%squeeze3A_130, %dma_start3A_139] : memref<100000x64xf32, #tpu.memory_space<hbm>> -> memref<1x64xf32, #tpu.memory_space<hbm>>
      tpu.enqueue_dma source(%dma_start3A_140 : memref<1x64xf32, #tpu.memory_space<hbm>>) target(%dma_start3A_138 : memref<1x64xf32, #tpu.memory_space<vmem>>) target_semaphore(%arg20 : memref<!tpu.dma_semaphore, #tpu.memory_space<semaphore_mem>>)
      %slice3A_141 = vector.extract_strided_slice %get3A_44 {offsets = [4], sizes = [1], strides = [1]} : vector<16xi32> to vector<1xi32>
      %squeeze3A_142 = vector.extract %slice3A_141[0] : i32 from vector<1xi32>
      %add3A_143 = arith.constant 4 : i32
      %add3A_144 = arith.addi %add3A_43, %add3A_143 : i32
      %dma_start3A_145 = arith.constant 0 : i32
      %dma_start3A_146 = tpu.memref_slice %arg15[%add3A_144, %dma_start3A_145] : memref<128x64xf32, #tpu.memory_space<vmem>> -> memref<1x64xf32, #tpu.memory_space<vmem>>
      %dma_start3A_147 = arith.constant 0 : i32
      %dma_start3A_148 = tpu.memref_slice %arg4[%squeeze3A_142, %dma_start3A_147] : memref<100000x64xf32, #tpu.memory_space<hbm>> -> memref<1x64xf32, #tpu.memory_space<hbm>>
      %dma_start3A_149 = arith.constant 0 : i32
      %dma_start3A_150 = tpu.memref_slice %arg15[%add3A_144, %dma_start3A_149] : memref<128x64xf32, #tpu.memory_space<vmem>> -> memref<1x64xf32, #tpu.memory_space<vmem>>
      %dma_start3A_151 = arith.constant 0 : i32
      %dma_start3A_152 = tpu.memref_slice %arg4[%squeeze3A_142, %dma_start3A_151] : memref<100000x64xf32, #tpu.memory_space<hbm>> -> memref<1x64xf32, #tpu.memory_space<hbm>>
      tpu.enqueue_dma source(%dma_start3A_152 : memref<1x64xf32, #tpu.memory_space<hbm>>) target(%dma_start3A_150 : memref<1x64xf32, #tpu.memory_space<vmem>>) target_semaphore(%arg20 : memref<!tpu.dma_semaphore, #tpu.memory_space<semaphore_mem>>)
      %slice3A_153 = vector.extract_strided_slice %get3A_46 {offsets = [4], sizes = [1], strides = [1]} : vector<16xi32> to vector<1xi32>
      %squeeze3A_154 = vector.extract %slice3A_153[0] : i32 from vector<1xi32>
      %add3A_155 = arith.constant 4 : i32
      %add3A_156 = arith.addi %add3A_43, %add3A_155 : i32
      %dma_start3A_157 = arith.constant 0 : i32
      %dma_start3A_158 = tpu.memref_slice %arg16[%add3A_156, %dma_start3A_157] : memref<128x64xf32, #tpu.memory_space<vmem>> -> memref<1x64xf32, #tpu.memory_space<vmem>>
      %dma_start3A_159 = arith.constant 0 : i32
      %dma_start3A_160 = tpu.memref_slice %arg5[%squeeze3A_154, %dma_start3A_159] : memref<100000x64xf32, #tpu.memory_space<hbm>> -> memref<1x64xf32, #tpu.memory_space<hbm>>
      %dma_start3A_161 = arith.constant 0 : i32
      %dma_start3A_162 = tpu.memref_slice %arg16[%add3A_156, %dma_start3A_161] : memref<128x64xf32, #tpu.memory_space<vmem>> -> memref<1x64xf32, #tpu.memory_space<vmem>>
      %dma_start3A_163 = arith.constant 0 : i32
      %dma_start3A_164 = tpu.memref_slice %arg5[%squeeze3A_154, %dma_start3A_163] : memref<100000x64xf32, #tpu.memory_space<hbm>> -> memref<1x64xf32, #tpu.memory_space<hbm>>
      tpu.enqueue_dma source(%dma_start3A_164 : memref<1x64xf32, #tpu.memory_space<hbm>>) target(%dma_start3A_162 : memref<1x64xf32, #tpu.memory_space<vmem>>) target_semaphore(%arg20 : memref<!tpu.dma_semaphore, #tpu.memory_space<semaphore_mem>>)
      %slice3A_165 = vector.extract_strided_slice %get3A_44 {offsets = [5], sizes = [1], strides = [1]} : vector<16xi32> to vector<1xi32>
      %squeeze3A_166 = vector.extract %slice3A_165[0] : i32 from vector<1xi32>
      %add3A_167 = arith.constant 5 : i32
      %add3A_168 = arith.addi %add3A_43, %add3A_167 : i32
      %dma_start3A_169 = arith.constant 0 : i32
      %dma_start3A_170 = tpu.memref_slice %arg15[%add3A_168, %dma_start3A_169] : memref<128x64xf32, #tpu.memory_space<vmem>> -> memref<1x64xf32, #tpu.memory_space<vmem>>
      %dma_start3A_171 = arith.constant 0 : i32
      %dma_start3A_172 = tpu.memref_slice %arg4[%squeeze3A_166, %dma_start3A_171] : memref<100000x64xf32, #tpu.memory_space<hbm>> -> memref<1x64xf32, #tpu.memory_space<hbm>>
      %dma_start3A_173 = arith.constant 0 : i32
      %dma_start3A_174 = tpu.memref_slice %arg15[%add3A_168, %dma_start3A_173] : memref<128x64xf32, #tpu.memory_space<vmem>> -> memref<1x64xf32, #tpu.memory_space<vmem>>
      %dma_start3A_175 = arith.constant 0 : i32
      %dma_start3A_176 = tpu.memref_slice %arg4[%squeeze3A_166, %dma_start3A_175] : memref<100000x64xf32, #tpu.memory_space<hbm>> -> memref<1x64xf32, #tpu.memory_space<hbm>>
      tpu.enqueue_dma source(%dma_start3A_176 : memref<1x64xf32, #tpu.memory_space<hbm>>) target(%dma_start3A_174 : memref<1x64xf32, #tpu.memory_space<vmem>>) target_semaphore(%arg20 : memref<!tpu.dma_semaphore, #tpu.memory_space<semaphore_mem>>)
      %slice3A_177 = vector.extract_strided_slice %get3A_46 {offsets = [5], sizes = [1], strides = [1]} : vector<16xi32> to vector<1xi32>
      %squeeze3A_178 = vector.extract %slice3A_177[0] : i32 from vector<1xi32>
      %add3A_179 = arith.constant 5 : i32
      %add3A_180 = arith.addi %add3A_43, %add3A_179 : i32
      %dma_start3A_181 = arith.constant 0 : i32
      %dma_start3A_182 = tpu.memref_slice %arg16[%add3A_180, %dma_start3A_181] : memref<128x64xf32, #tpu.memory_space<vmem>> -> memref<1x64xf32, #tpu.memory_space<vmem>>
      %dma_start3A_183 = arith.constant 0 : i32
      %dma_start3A_184 = tpu.memref_slice %arg5[%squeeze3A_178, %dma_start3A_183] : memref<100000x64xf32, #tpu.memory_space<hbm>> -> memref<1x64xf32, #tpu.memory_space<hbm>>
      %dma_start3A_185 = arith.constant 0 : i32
      %dma_start3A_186 = tpu.memref_slice %arg16[%add3A_180, %dma_start3A_185] : memref<128x64xf32, #tpu.memory_space<vmem>> -> memref<1x64xf32, #tpu.memory_space<vmem>>
      %dma_start3A_187 = arith.constant 0 : i32
      %dma_start3A_188 = tpu.memref_slice %arg5[%squeeze3A_178, %dma_start3A_187] : memref<100000x64xf32, #tpu.memory_space<hbm>> -> memref<1x64xf32, #tpu.memory_space<hbm>>
      tpu.enqueue_dma source(%dma_start3A_188 : memref<1x64xf32, #tpu.memory_space<hbm>>) target(%dma_start3A_186 : memref<1x64xf32, #tpu.memory_space<vmem>>) target_semaphore(%arg20 : memref<!tpu.dma_semaphore, #tpu.memory_space<semaphore_mem>>)
      %slice3A_189 = vector.extract_strided_slice %get3A_44 {offsets = [6], sizes = [1], strides = [1]} : vector<16xi32> to vector<1xi32>
      %squeeze3A_190 = vector.extract %slice3A_189[0] : i32 from vector<1xi32>
      %add3A_191 = arith.constant 6 : i32
      %add3A_192 = arith.addi %add3A_43, %add3A_191 : i32
      %dma_start3A_193 = arith.constant 0 : i32
      %dma_start3A_194 = tpu.memref_slice %arg15[%add3A_192, %dma_start3A_193] : memref<128x64xf32, #tpu.memory_space<vmem>> -> memref<1x64xf32, #tpu.memory_space<vmem>>
      %dma_start3A_195 = arith.constant 0 : i32
      %dma_start3A_196 = tpu.memref_slice %arg4[%squeeze3A_190, %dma_start3A_195] : memref<100000x64xf32, #tpu.memory_space<hbm>> -> memref<1x64xf32, #tpu.memory_space<hbm>>
      %dma_start3A_197 = arith.constant 0 : i32
      %dma_start3A_198 = tpu.memref_slice %arg15[%add3A_192, %dma_start3A_197] : memref<128x64xf32, #tpu.memory_space<vmem>> -> memref<1x64xf32, #tpu.memory_space<vmem>>
      %dma_start3A_199 = arith.constant 0 : i32
      %dma_start3A_200 = tpu.memref_slice %arg4[%squeeze3A_190, %dma_start3A_199] : memref<100000x64xf32, #tpu.memory_space<hbm>> -> memref<1x64xf32, #tpu.memory_space<hbm>>
      tpu.enqueue_dma source(%dma_start3A_200 : memref<1x64xf32, #tpu.memory_space<hbm>>) target(%dma_start3A_198 : memref<1x64xf32, #tpu.memory_space<vmem>>) target_semaphore(%arg20 : memref<!tpu.dma_semaphore, #tpu.memory_space<semaphore_mem>>)
      %slice3A_201 = vector.extract_strided_slice %get3A_46 {offsets = [6], sizes = [1], strides = [1]} : vector<16xi32> to vector<1xi32>
      %squeeze3A_202 = vector.extract %slice3A_201[0] : i32 from vector<1xi32>
      %add3A_203 = arith.constant 6 : i32
      %add3A_204 = arith.addi %add3A_43, %add3A_203 : i32
      %dma_start3A_205 = arith.constant 0 : i32
      %dma_start3A_206 = tpu.memref_slice %arg16[%add3A_204, %dma_start3A_205] : memref<128x64xf32, #tpu.memory_space<vmem>> -> memref<1x64xf32, #tpu.memory_space<vmem>>
      %dma_start3A_207 = arith.constant 0 : i32
      %dma_start3A_208 = tpu.memref_slice %arg5[%squeeze3A_202, %dma_start3A_207] : memref<100000x64xf32, #tpu.memory_space<hbm>> -> memref<1x64xf32, #tpu.memory_space<hbm>>
      %dma_start3A_209 = arith.constant 0 : i32
      %dma_start3A_210 = tpu.memref_slice %arg16[%add3A_204, %dma_start3A_209] : memref<128x64xf32, #tpu.memory_space<vmem>> -> memref<1x64xf32, #tpu.memory_space<vmem>>
      %dma_start3A_211 = arith.constant 0 : i32
      %dma_start3A_212 = tpu.memref_slice %arg5[%squeeze3A_202, %dma_start3A_211] : memref<100000x64xf32, #tpu.memory_space<hbm>> -> memref<1x64xf32, #tpu.memory_space<hbm>>
      tpu.enqueue_dma source(%dma_start3A_212 : memref<1x64xf32, #tpu.memory_space<hbm>>) target(%dma_start3A_210 : memref<1x64xf32, #tpu.memory_space<vmem>>) target_semaphore(%arg20 : memref<!tpu.dma_semaphore, #tpu.memory_space<semaphore_mem>>)
      %slice3A_213 = vector.extract_strided_slice %get3A_44 {offsets = [7], sizes = [1], strides = [1]} : vector<16xi32> to vector<1xi32>
      %squeeze3A_214 = vector.extract %slice3A_213[0] : i32 from vector<1xi32>
      %add3A_215 = arith.constant 7 : i32
      %add3A_216 = arith.addi %add3A_43, %add3A_215 : i32
      %dma_start3A_217 = arith.constant 0 : i32
      %dma_start3A_218 = tpu.memref_slice %arg15[%add3A_216, %dma_start3A_217] : memref<128x64xf32, #tpu.memory_space<vmem>> -> memref<1x64xf32, #tpu.memory_space<vmem>>
      %dma_start3A_219 = arith.constant 0 : i32
      %dma_start3A_220 = tpu.memref_slice %arg4[%squeeze3A_214, %dma_start3A_219] : memref<100000x64xf32, #tpu.memory_space<hbm>> -> memref<1x64xf32, #tpu.memory_space<hbm>>
      %dma_start3A_221 = arith.constant 0 : i32
      %dma_start3A_222 = tpu.memref_slice %arg15[%add3A_216, %dma_start3A_221] : memref<128x64xf32, #tpu.memory_space<vmem>> -> memref<1x64xf32, #tpu.memory_space<vmem>>
      %dma_start3A_223 = arith.constant 0 : i32
      %dma_start3A_224 = tpu.memref_slice %arg4[%squeeze3A_214, %dma_start3A_223] : memref<100000x64xf32, #tpu.memory_space<hbm>> -> memref<1x64xf32, #tpu.memory_space<hbm>>
      tpu.enqueue_dma source(%dma_start3A_224 : memref<1x64xf32, #tpu.memory_space<hbm>>) target(%dma_start3A_222 : memref<1x64xf32, #tpu.memory_space<vmem>>) target_semaphore(%arg20 : memref<!tpu.dma_semaphore, #tpu.memory_space<semaphore_mem>>)
      %slice3A_225 = vector.extract_strided_slice %get3A_46 {offsets = [7], sizes = [1], strides = [1]} : vector<16xi32> to vector<1xi32>
      %squeeze3A_226 = vector.extract %slice3A_225[0] : i32 from vector<1xi32>
      %add3A_227 = arith.constant 7 : i32
      %add3A_228 = arith.addi %add3A_43, %add3A_227 : i32
      %dma_start3A_229 = arith.constant 0 : i32
      %dma_start3A_230 = tpu.memref_slice %arg16[%add3A_228, %dma_start3A_229] : memref<128x64xf32, #tpu.memory_space<vmem>> -> memref<1x64xf32, #tpu.memory_space<vmem>>
      %dma_start3A_231 = arith.constant 0 : i32
      %dma_start3A_232 = tpu.memref_slice %arg5[%squeeze3A_226, %dma_start3A_231] : memref<100000x64xf32, #tpu.memory_space<hbm>> -> memref<1x64xf32, #tpu.memory_space<hbm>>
      %dma_start3A_233 = arith.constant 0 : i32
      %dma_start3A_234 = tpu.memref_slice %arg16[%add3A_228, %dma_start3A_233] : memref<128x64xf32, #tpu.memory_space<vmem>> -> memref<1x64xf32, #tpu.memory_space<vmem>>
      %dma_start3A_235 = arith.constant 0 : i32
      %dma_start3A_236 = tpu.memref_slice %arg5[%squeeze3A_226, %dma_start3A_235] : memref<100000x64xf32, #tpu.memory_space<hbm>> -> memref<1x64xf32, #tpu.memory_space<hbm>>
      tpu.enqueue_dma source(%dma_start3A_236 : memref<1x64xf32, #tpu.memory_space<hbm>>) target(%dma_start3A_234 : memref<1x64xf32, #tpu.memory_space<vmem>>) target_semaphore(%arg20 : memref<!tpu.dma_semaphore, #tpu.memory_space<semaphore_mem>>)
      %slice3A_237 = vector.extract_strided_slice %get3A_44 {offsets = [8], sizes = [1], strides = [1]} : vector<16xi32> to vector<1xi32>
      %squeeze3A_238 = vector.extract %slice3A_237[0] : i32 from vector<1xi32>
      %add3A_239 = arith.constant 8 : i32
      %add3A_240 = arith.addi %add3A_43, %add3A_239 : i32
      %dma_start3A_241 = arith.constant 0 : i32
      %dma_start3A_242 = tpu.memref_slice %arg15[%add3A_240, %dma_start3A_241] : memref<128x64xf32, #tpu.memory_space<vmem>> -> memref<1x64xf32, #tpu.memory_space<vmem>>
      %dma_start3A_243 = arith.constant 0 : i32
      %dma_start3A_244 = tpu.memref_slice %arg4[%squeeze3A_238, %dma_start3A_243] : memref<100000x64xf32, #tpu.memory_space<hbm>> -> memref<1x64xf32, #tpu.memory_space<hbm>>
      %dma_start3A_245 = arith.constant 0 : i32
      %dma_start3A_246 = tpu.memref_slice %arg15[%add3A_240, %dma_start3A_245] : memref<128x64xf32, #tpu.memory_space<vmem>> -> memref<1x64xf32, #tpu.memory_space<vmem>>
      %dma_start3A_247 = arith.constant 0 : i32
      %dma_start3A_248 = tpu.memref_slice %arg4[%squeeze3A_238, %dma_start3A_247] : memref<100000x64xf32, #tpu.memory_space<hbm>> -> memref<1x64xf32, #tpu.memory_space<hbm>>
      tpu.enqueue_dma source(%dma_start3A_248 : memref<1x64xf32, #tpu.memory_space<hbm>>) target(%dma_start3A_246 : memref<1x64xf32, #tpu.memory_space<vmem>>) target_semaphore(%arg20 : memref<!tpu.dma_semaphore, #tpu.memory_space<semaphore_mem>>)
      %slice3A_249 = vector.extract_strided_slice %get3A_46 {offsets = [8], sizes = [1], strides = [1]} : vector<16xi32> to vector<1xi32>
      %squeeze3A_250 = vector.extract %slice3A_249[0] : i32 from vector<1xi32>
      %add3A_251 = arith.constant 8 : i32
      %add3A_252 = arith.addi %add3A_43, %add3A_251 : i32
      %dma_start3A_253 = arith.constant 0 : i32
      %dma_start3A_254 = tpu.memref_slice %arg16[%add3A_252, %dma_start3A_253] : memref<128x64xf32, #tpu.memory_space<vmem>> -> memref<1x64xf32, #tpu.memory_space<vmem>>
      %dma_start3A_255 = arith.constant 0 : i32
      %dma_start3A_256 = tpu.memref_slice %arg5[%squeeze3A_250, %dma_start3A_255] : memref<100000x64xf32, #tpu.memory_space<hbm>> -> memref<1x64xf32, #tpu.memory_space<hbm>>
      %dma_start3A_257 = arith.constant 0 : i32
      %dma_start3A_258 = tpu.memref_slice %arg16[%add3A_252, %dma_start3A_257] : memref<128x64xf32, #tpu.memory_space<vmem>> -> memref<1x64xf32, #tpu.memory_space<vmem>>
      %dma_start3A_259 = arith.constant 0 : i32
      %dma_start3A_260 = tpu.memref_slice %arg5[%squeeze3A_250, %dma_start3A_259] : memref<100000x64xf32, #tpu.memory_space<hbm>> -> memref<1x64xf32, #tpu.memory_space<hbm>>
      tpu.enqueue_dma source(%dma_start3A_260 : memref<1x64xf32, #tpu.memory_space<hbm>>) target(%dma_start3A_258 : memref<1x64xf32, #tpu.memory_space<vmem>>) target_semaphore(%arg20 : memref<!tpu.dma_semaphore, #tpu.memory_space<semaphore_mem>>)
      %slice3A_261 = vector.extract_strided_slice %get3A_44 {offsets = [9], sizes = [1], strides = [1]} : vector<16xi32> to vector<1xi32>
      %squeeze3A_262 = vector.extract %slice3A_261[0] : i32 from vector<1xi32>
      %add3A_263 = arith.constant 9 : i32
      %add3A_264 = arith.addi %add3A_43, %add3A_263 : i32
      %dma_start3A_265 = arith.constant 0 : i32
      %dma_start3A_266 = tpu.memref_slice %arg15[%add3A_264, %dma_start3A_265] : memref<128x64xf32, #tpu.memory_space<vmem>> -> memref<1x64xf32, #tpu.memory_space<vmem>>
      %dma_start3A_267 = arith.constant 0 : i32
      %dma_start3A_268 = tpu.memref_slice %arg4[%squeeze3A_262, %dma_start3A_267] : memref<100000x64xf32, #tpu.memory_space<hbm>> -> memref<1x64xf32, #tpu.memory_space<hbm>>
      %dma_start3A_269 = arith.constant 0 : i32
      %dma_start3A_270 = tpu.memref_slice %arg15[%add3A_264, %dma_start3A_269] : memref<128x64xf32, #tpu.memory_space<vmem>> -> memref<1x64xf32, #tpu.memory_space<vmem>>
      %dma_start3A_271 = arith.constant 0 : i32
      %dma_start3A_272 = tpu.memref_slice %arg4[%squeeze3A_262, %dma_start3A_271] : memref<100000x64xf32, #tpu.memory_space<hbm>> -> memref<1x64xf32, #tpu.memory_space<hbm>>
      tpu.enqueue_dma source(%dma_start3A_272 : memref<1x64xf32, #tpu.memory_space<hbm>>) target(%dma_start3A_270 : memref<1x64xf32, #tpu.memory_space<vmem>>) target_semaphore(%arg20 : memref<!tpu.dma_semaphore, #tpu.memory_space<semaphore_mem>>)
      %slice3A_273 = vector.extract_strided_slice %get3A_46 {offsets = [9], sizes = [1], strides = [1]} : vector<16xi32> to vector<1xi32>
      %squeeze3A_274 = vector.extract %slice3A_273[0] : i32 from vector<1xi32>
      %add3A_275 = arith.constant 9 : i32
      %add3A_276 = arith.addi %add3A_43, %add3A_275 : i32
      %dma_start3A_277 = arith.constant 0 : i32
      %dma_start3A_278 = tpu.memref_slice %arg16[%add3A_276, %dma_start3A_277] : memref<128x64xf32, #tpu.memory_space<vmem>> -> memref<1x64xf32, #tpu.memory_space<vmem>>
      %dma_start3A_279 = arith.constant 0 : i32
      %dma_start3A_280 = tpu.memref_slice %arg5[%squeeze3A_274, %dma_start3A_279] : memref<100000x64xf32, #tpu.memory_space<hbm>> -> memref<1x64xf32, #tpu.memory_space<hbm>>
      %dma_start3A_281 = arith.constant 0 : i32
      %dma_start3A_282 = tpu.memref_slice %arg16[%add3A_276, %dma_start3A_281] : memref<128x64xf32, #tpu.memory_space<vmem>> -> memref<1x64xf32, #tpu.memory_space<vmem>>
      %dma_start3A_283 = arith.constant 0 : i32
      %dma_start3A_284 = tpu.memref_slice %arg5[%squeeze3A_274, %dma_start3A_283] : memref<100000x64xf32, #tpu.memory_space<hbm>> -> memref<1x64xf32, #tpu.memory_space<hbm>>
      tpu.enqueue_dma source(%dma_start3A_284 : memref<1x64xf32, #tpu.memory_space<hbm>>) target(%dma_start3A_282 : memref<1x64xf32, #tpu.memory_space<vmem>>) target_semaphore(%arg20 : memref<!tpu.dma_semaphore, #tpu.memory_space<semaphore_mem>>)
      %slice3A_285 = vector.extract_strided_slice %get3A_44 {offsets = [10], sizes = [1], strides = [1]} : vector<16xi32> to vector<1xi32>
      %squeeze3A_286 = vector.extract %slice3A_285[0] : i32 from vector<1xi32>
      %add3A_287 = arith.constant 10 : i32
      %add3A_288 = arith.addi %add3A_43, %add3A_287 : i32
      %dma_start3A_289 = arith.constant 0 : i32
      %dma_start3A_290 = tpu.memref_slice %arg15[%add3A_288, %dma_start3A_289] : memref<128x64xf32, #tpu.memory_space<vmem>> -> memref<1x64xf32, #tpu.memory_space<vmem>>
      %dma_start3A_291 = arith.constant 0 : i32
      %dma_start3A_292 = tpu.memref_slice %arg4[%squeeze3A_286, %dma_start3A_291] : memref<100000x64xf32, #tpu.memory_space<hbm>> -> memref<1x64xf32, #tpu.memory_space<hbm>>
      %dma_start3A_293 = arith.constant 0 : i32
      %dma_start3A_294 = tpu.memref_slice %arg15[%add3A_288, %dma_start3A_293] : memref<128x64xf32, #tpu.memory_space<vmem>> -> memref<1x64xf32, #tpu.memory_space<vmem>>
      %dma_start3A_295 = arith.constant 0 : i32
      %dma_start3A_296 = tpu.memref_slice %arg4[%squeeze3A_286, %dma_start3A_295] : memref<100000x64xf32, #tpu.memory_space<hbm>> -> memref<1x64xf32, #tpu.memory_space<hbm>>
      tpu.enqueue_dma source(%dma_start3A_296 : memref<1x64xf32, #tpu.memory_space<hbm>>) target(%dma_start3A_294 : memref<1x64xf32, #tpu.memory_space<vmem>>) target_semaphore(%arg20 : memref<!tpu.dma_semaphore, #tpu.memory_space<semaphore_mem>>)
      %slice3A_297 = vector.extract_strided_slice %get3A_46 {offsets = [10], sizes = [1], strides = [1]} : vector<16xi32> to vector<1xi32>
      %squeeze3A_298 = vector.extract %slice3A_297[0] : i32 from vector<1xi32>
      %add3A_299 = arith.constant 10 : i32
      %add3A_300 = arith.addi %add3A_43, %add3A_299 : i32
      %dma_start3A_301 = arith.constant 0 : i32
      %dma_start3A_302 = tpu.memref_slice %arg16[%add3A_300, %dma_start3A_301] : memref<128x64xf32, #tpu.memory_space<vmem>> -> memref<1x64xf32, #tpu.memory_space<vmem>>
      %dma_start3A_303 = arith.constant 0 : i32
      %dma_start3A_304 = tpu.memref_slice %arg5[%squeeze3A_298, %dma_start3A_303] : memref<100000x64xf32, #tpu.memory_space<hbm>> -> memref<1x64xf32, #tpu.memory_space<hbm>>
      %dma_start3A_305 = arith.constant 0 : i32
      %dma_start3A_306 = tpu.memref_slice %arg16[%add3A_300, %dma_start3A_305] : memref<128x64xf32, #tpu.memory_space<vmem>> -> memref<1x64xf32, #tpu.memory_space<vmem>>
      %dma_start3A_307 = arith.constant 0 : i32
      %dma_start3A_308 = tpu.memref_slice %arg5[%squeeze3A_298, %dma_start3A_307] : memref<100000x64xf32, #tpu.memory_space<hbm>> -> memref<1x64xf32, #tpu.memory_space<hbm>>
      tpu.enqueue_dma source(%dma_start3A_308 : memref<1x64xf32, #tpu.memory_space<hbm>>) target(%dma_start3A_306 : memref<1x64xf32, #tpu.memory_space<vmem>>) target_semaphore(%arg20 : memref<!tpu.dma_semaphore, #tpu.memory_space<semaphore_mem>>)
      %slice3A_309 = vector.extract_strided_slice %get3A_44 {offsets = [11], sizes = [1], strides = [1]} : vector<16xi32> to vector<1xi32>
      %squeeze3A_310 = vector.extract %slice3A_309[0] : i32 from vector<1xi32>
      %add3A_311 = arith.constant 11 : i32
      %add3A_312 = arith.addi %add3A_43, %add3A_311 : i32
      %dma_start3A_313 = arith.constant 0 : i32
      %dma_start3A_314 = tpu.memref_slice %arg15[%add3A_312, %dma_start3A_313] : memref<128x64xf32, #tpu.memory_space<vmem>> -> memref<1x64xf32, #tpu.memory_space<vmem>>
      %dma_start3A_315 = arith.constant 0 : i32
      %dma_start3A_316 = tpu.memref_slice %arg4[%squeeze3A_310, %dma_start3A_315] : memref<100000x64xf32, #tpu.memory_space<hbm>> -> memref<1x64xf32, #tpu.memory_space<hbm>>
      %dma_start3A_317 = arith.constant 0 : i32
      %dma_start3A_318 = tpu.memref_slice %arg15[%add3A_312, %dma_start3A_317] : memref<128x64xf32, #tpu.memory_space<vmem>> -> memref<1x64xf32, #tpu.memory_space<vmem>>
      %dma_start3A_319 = arith.constant 0 : i32
      %dma_start3A_320 = tpu.memref_slice %arg4[%squeeze3A_310, %dma_start3A_319] : memref<100000x64xf32, #tpu.memory_space<hbm>> -> memref<1x64xf32, #tpu.memory_space<hbm>>
      tpu.enqueue_dma source(%dma_start3A_320 : memref<1x64xf32, #tpu.memory_space<hbm>>) target(%dma_start3A_318 : memref<1x64xf32, #tpu.memory_space<vmem>>) target_semaphore(%arg20 : memref<!tpu.dma_semaphore, #tpu.memory_space<semaphore_mem>>)
      %slice3A_321 = vector.extract_strided_slice %get3A_46 {offsets = [11], sizes = [1], strides = [1]} : vector<16xi32> to vector<1xi32>
      %squeeze3A_322 = vector.extract %slice3A_321[0] : i32 from vector<1xi32>
      %add3A_323 = arith.constant 11 : i32
      %add3A_324 = arith.addi %add3A_43, %add3A_323 : i32
      %dma_start3A_325 = arith.constant 0 : i32
      %dma_start3A_326 = tpu.memref_slice %arg16[%add3A_324, %dma_start3A_325] : memref<128x64xf32, #tpu.memory_space<vmem>> -> memref<1x64xf32, #tpu.memory_space<vmem>>
      %dma_start3A_327 = arith.constant 0 : i32
      %dma_start3A_328 = tpu.memref_slice %arg5[%squeeze3A_322, %dma_start3A_327] : memref<100000x64xf32, #tpu.memory_space<hbm>> -> memref<1x64xf32, #tpu.memory_space<hbm>>
      %dma_start3A_329 = arith.constant 0 : i32
      %dma_start3A_330 = tpu.memref_slice %arg16[%add3A_324, %dma_start3A_329] : memref<128x64xf32, #tpu.memory_space<vmem>> -> memref<1x64xf32, #tpu.memory_space<vmem>>
      %dma_start3A_331 = arith.constant 0 : i32
      %dma_start3A_332 = tpu.memref_slice %arg5[%squeeze3A_322, %dma_start3A_331] : memref<100000x64xf32, #tpu.memory_space<hbm>> -> memref<1x64xf32, #tpu.memory_space<hbm>>
      tpu.enqueue_dma source(%dma_start3A_332 : memref<1x64xf32, #tpu.memory_space<hbm>>) target(%dma_start3A_330 : memref<1x64xf32, #tpu.memory_space<vmem>>) target_semaphore(%arg20 : memref<!tpu.dma_semaphore, #tpu.memory_space<semaphore_mem>>)
      %slice3A_333 = vector.extract_strided_slice %get3A_44 {offsets = [12], sizes = [1], strides = [1]} : vector<16xi32> to vector<1xi32>
      %squeeze3A_334 = vector.extract %slice3A_333[0] : i32 from vector<1xi32>
      %add3A_335 = arith.constant 12 : i32
      %add3A_336 = arith.addi %add3A_43, %add3A_335 : i32
      %dma_start3A_337 = arith.constant 0 : i32
      %dma_start3A_338 = tpu.memref_slice %arg15[%add3A_336, %dma_start3A_337] : memref<128x64xf32, #tpu.memory_space<vmem>> -> memref<1x64xf32, #tpu.memory_space<vmem>>
      %dma_start3A_339 = arith.constant 0 : i32
      %dma_start3A_340 = tpu.memref_slice %arg4[%squeeze3A_334, %dma_start3A_339] : memref<100000x64xf32, #tpu.memory_space<hbm>> -> memref<1x64xf32, #tpu.memory_space<hbm>>
      %dma_start3A_341 = arith.constant 0 : i32
      %dma_start3A_342 = tpu.memref_slice %arg15[%add3A_336, %dma_start3A_341] : memref<128x64xf32, #tpu.memory_space<vmem>> -> memref<1x64xf32, #tpu.memory_space<vmem>>
      %dma_start3A_343 = arith.constant 0 : i32
      %dma_start3A_344 = tpu.memref_slice %arg4[%squeeze3A_334, %dma_start3A_343] : memref<100000x64xf32, #tpu.memory_space<hbm>> -> memref<1x64xf32, #tpu.memory_space<hbm>>
      tpu.enqueue_dma source(%dma_start3A_344 : memref<1x64xf32, #tpu.memory_space<hbm>>) target(%dma_start3A_342 : memref<1x64xf32, #tpu.memory_space<vmem>>) target_semaphore(%arg20 : memref<!tpu.dma_semaphore, #tpu.memory_space<semaphore_mem>>)
      %slice3A_345 = vector.extract_strided_slice %get3A_46 {offsets = [12], sizes = [1], strides = [1]} : vector<16xi32> to vector<1xi32>
      %squeeze3A_346 = vector.extract %slice3A_345[0] : i32 from vector<1xi32>
      %add3A_347 = arith.constant 12 : i32
      %add3A_348 = arith.addi %add3A_43, %add3A_347 : i32
      %dma_start3A_349 = arith.constant 0 : i32
      %dma_start3A_350 = tpu.memref_slice %arg16[%add3A_348, %dma_start3A_349] : memref<128x64xf32, #tpu.memory_space<vmem>> -> memref<1x64xf32, #tpu.memory_space<vmem>>
      %dma_start3A_351 = arith.constant 0 : i32
      %dma_start3A_352 = tpu.memref_slice %arg5[%squeeze3A_346, %dma_start3A_351] : memref<100000x64xf32, #tpu.memory_space<hbm>> -> memref<1x64xf32, #tpu.memory_space<hbm>>
      %dma_start3A_353 = arith.constant 0 : i32
      %dma_start3A_354 = tpu.memref_slice %arg16[%add3A_348, %dma_start3A_353] : memref<128x64xf32, #tpu.memory_space<vmem>> -> memref<1x64xf32, #tpu.memory_space<vmem>>
      %dma_start3A_355 = arith.constant 0 : i32
      %dma_start3A_356 = tpu.memref_slice %arg5[%squeeze3A_346, %dma_start3A_355] : memref<100000x64xf32, #tpu.memory_space<hbm>> -> memref<1x64xf32, #tpu.memory_space<hbm>>
      tpu.enqueue_dma source(%dma_start3A_356 : memref<1x64xf32, #tpu.memory_space<hbm>>) target(%dma_start3A_354 : memref<1x64xf32, #tpu.memory_space<vmem>>) target_semaphore(%arg20 : memref<!tpu.dma_semaphore, #tpu.memory_space<semaphore_mem>>)
      %slice3A_357 = vector.extract_strided_slice %get3A_44 {offsets = [13], sizes = [1], strides = [1]} : vector<16xi32> to vector<1xi32>
      %squeeze3A_358 = vector.extract %slice3A_357[0] : i32 from vector<1xi32>
      %add3A_359 = arith.constant 13 : i32
      %add3A_360 = arith.addi %add3A_43, %add3A_359 : i32
      %dma_start3A_361 = arith.constant 0 : i32
      %dma_start3A_362 = tpu.memref_slice %arg15[%add3A_360, %dma_start3A_361] : memref<128x64xf32, #tpu.memory_space<vmem>> -> memref<1x64xf32, #tpu.memory_space<vmem>>
      %dma_start3A_363 = arith.constant 0 : i32
      %dma_start3A_364 = tpu.memref_slice %arg4[%squeeze3A_358, %dma_start3A_363] : memref<100000x64xf32, #tpu.memory_space<hbm>> -> memref<1x64xf32, #tpu.memory_space<hbm>>
      %dma_start3A_365 = arith.constant 0 : i32
      %dma_start3A_366 = tpu.memref_slice %arg15[%add3A_360, %dma_start3A_365] : memref<128x64xf32, #tpu.memory_space<vmem>> -> memref<1x64xf32, #tpu.memory_space<vmem>>
      %dma_start3A_367 = arith.constant 0 : i32
      %dma_start3A_368 = tpu.memref_slice %arg4[%squeeze3A_358, %dma_start3A_367] : memref<100000x64xf32, #tpu.memory_space<hbm>> -> memref<1x64xf32, #tpu.memory_space<hbm>>
      tpu.enqueue_dma source(%dma_start3A_368 : memref<1x64xf32, #tpu.memory_space<hbm>>) target(%dma_start3A_366 : memref<1x64xf32, #tpu.memory_space<vmem>>) target_semaphore(%arg20 : memref<!tpu.dma_semaphore, #tpu.memory_space<semaphore_mem>>)
      %slice3A_369 = vector.extract_strided_slice %get3A_46 {offsets = [13], sizes = [1], strides = [1]} : vector<16xi32> to vector<1xi32>
      %squeeze3A_370 = vector.extract %slice3A_369[0] : i32 from vector<1xi32>
      %add3A_371 = arith.constant 13 : i32
      %add3A_372 = arith.addi %add3A_43, %add3A_371 : i32
      %dma_start3A_373 = arith.constant 0 : i32
      %dma_start3A_374 = tpu.memref_slice %arg16[%add3A_372, %dma_start3A_373] : memref<128x64xf32, #tpu.memory_space<vmem>> -> memref<1x64xf32, #tpu.memory_space<vmem>>
      %dma_start3A_375 = arith.constant 0 : i32
      %dma_start3A_376 = tpu.memref_slice %arg5[%squeeze3A_370, %dma_start3A_375] : memref<100000x64xf32, #tpu.memory_space<hbm>> -> memref<1x64xf32, #tpu.memory_space<hbm>>
      %dma_start3A_377 = arith.constant 0 : i32
      %dma_start3A_378 = tpu.memref_slice %arg16[%add3A_372, %dma_start3A_377] : memref<128x64xf32, #tpu.memory_space<vmem>> -> memref<1x64xf32, #tpu.memory_space<vmem>>
      %dma_start3A_379 = arith.constant 0 : i32
      %dma_start3A_380 = tpu.memref_slice %arg5[%squeeze3A_370, %dma_start3A_379] : memref<100000x64xf32, #tpu.memory_space<hbm>> -> memref<1x64xf32, #tpu.memory_space<hbm>>
      tpu.enqueue_dma source(%dma_start3A_380 : memref<1x64xf32, #tpu.memory_space<hbm>>) target(%dma_start3A_378 : memref<1x64xf32, #tpu.memory_space<vmem>>) target_semaphore(%arg20 : memref<!tpu.dma_semaphore, #tpu.memory_space<semaphore_mem>>)
      %slice3A_381 = vector.extract_strided_slice %get3A_44 {offsets = [14], sizes = [1], strides = [1]} : vector<16xi32> to vector<1xi32>
      %squeeze3A_382 = vector.extract %slice3A_381[0] : i32 from vector<1xi32>
      %add3A_383 = arith.constant 14 : i32
      %add3A_384 = arith.addi %add3A_43, %add3A_383 : i32
      %dma_start3A_385 = arith.constant 0 : i32
      %dma_start3A_386 = tpu.memref_slice %arg15[%add3A_384, %dma_start3A_385] : memref<128x64xf32, #tpu.memory_space<vmem>> -> memref<1x64xf32, #tpu.memory_space<vmem>>
      %dma_start3A_387 = arith.constant 0 : i32
      %dma_start3A_388 = tpu.memref_slice %arg4[%squeeze3A_382, %dma_start3A_387] : memref<100000x64xf32, #tpu.memory_space<hbm>> -> memref<1x64xf32, #tpu.memory_space<hbm>>
      %dma_start3A_389 = arith.constant 0 : i32
      %dma_start3A_390 = tpu.memref_slice %arg15[%add3A_384, %dma_start3A_389] : memref<128x64xf32, #tpu.memory_space<vmem>> -> memref<1x64xf32, #tpu.memory_space<vmem>>
      %dma_start3A_391 = arith.constant 0 : i32
      %dma_start3A_392 = tpu.memref_slice %arg4[%squeeze3A_382, %dma_start3A_391] : memref<100000x64xf32, #tpu.memory_space<hbm>> -> memref<1x64xf32, #tpu.memory_space<hbm>>
      tpu.enqueue_dma source(%dma_start3A_392 : memref<1x64xf32, #tpu.memory_space<hbm>>) target(%dma_start3A_390 : memref<1x64xf32, #tpu.memory_space<vmem>>) target_semaphore(%arg20 : memref<!tpu.dma_semaphore, #tpu.memory_space<semaphore_mem>>)
      %slice3A_393 = vector.extract_strided_slice %get3A_46 {offsets = [14], sizes = [1], strides = [1]} : vector<16xi32> to vector<1xi32>
      %squeeze3A_394 = vector.extract %slice3A_393[0] : i32 from vector<1xi32>
      %add3A_395 = arith.constant 14 : i32
      %add3A_396 = arith.addi %add3A_43, %add3A_395 : i32
      %dma_start3A_397 = arith.constant 0 : i32
      %dma_start3A_398 = tpu.memref_slice %arg16[%add3A_396, %dma_start3A_397] : memref<128x64xf32, #tpu.memory_space<vmem>> -> memref<1x64xf32, #tpu.memory_space<vmem>>
      %dma_start3A_399 = arith.constant 0 : i32
      %dma_start3A_400 = tpu.memref_slice %arg5[%squeeze3A_394, %dma_start3A_399] : memref<100000x64xf32, #tpu.memory_space<hbm>> -> memref<1x64xf32, #tpu.memory_space<hbm>>
      %dma_start3A_401 = arith.constant 0 : i32
      %dma_start3A_402 = tpu.memref_slice %arg16[%add3A_396, %dma_start3A_401] : memref<128x64xf32, #tpu.memory_space<vmem>> -> memref<1x64xf32, #tpu.memory_space<vmem>>
      %dma_start3A_403 = arith.constant 0 : i32
      %dma_start3A_404 = tpu.memref_slice %arg5[%squeeze3A_394, %dma_start3A_403] : memref<100000x64xf32, #tpu.memory_space<hbm>> -> memref<1x64xf32, #tpu.memory_space<hbm>>
      tpu.enqueue_dma source(%dma_start3A_404 : memref<1x64xf32, #tpu.memory_space<hbm>>) target(%dma_start3A_402 : memref<1x64xf32, #tpu.memory_space<vmem>>) target_semaphore(%arg20 : memref<!tpu.dma_semaphore, #tpu.memory_space<semaphore_mem>>)
      %slice3A_405 = vector.extract_strided_slice %get3A_44 {offsets = [15], sizes = [1], strides = [1]} : vector<16xi32> to vector<1xi32>
      %squeeze3A_406 = vector.extract %slice3A_405[0] : i32 from vector<1xi32>
      %add3A_407 = arith.constant 15 : i32
      %add3A_408 = arith.addi %add3A_43, %add3A_407 : i32
      %dma_start3A_409 = arith.constant 0 : i32
      %dma_start3A_410 = tpu.memref_slice %arg15[%add3A_408, %dma_start3A_409] : memref<128x64xf32, #tpu.memory_space<vmem>> -> memref<1x64xf32, #tpu.memory_space<vmem>>
      %dma_start3A_411 = arith.constant 0 : i32
      %dma_start3A_412 = tpu.memref_slice %arg4[%squeeze3A_406, %dma_start3A_411] : memref<100000x64xf32, #tpu.memory_space<hbm>> -> memref<1x64xf32, #tpu.memory_space<hbm>>
      %dma_start3A_413 = arith.constant 0 : i32
      %dma_start3A_414 = tpu.memref_slice %arg15[%add3A_408, %dma_start3A_413] : memref<128x64xf32, #tpu.memory_space<vmem>> -> memref<1x64xf32, #tpu.memory_space<vmem>>
      %dma_start3A_415 = arith.constant 0 : i32
      %dma_start3A_416 = tpu.memref_slice %arg4[%squeeze3A_406, %dma_start3A_415] : memref<100000x64xf32, #tpu.memory_space<hbm>> -> memref<1x64xf32, #tpu.memory_space<hbm>>
      tpu.enqueue_dma source(%dma_start3A_416 : memref<1x64xf32, #tpu.memory_space<hbm>>) target(%dma_start3A_414 : memref<1x64xf32, #tpu.memory_space<vmem>>) target_semaphore(%arg20 : memref<!tpu.dma_semaphore, #tpu.memory_space<semaphore_mem>>)
      %slice3A_417 = vector.extract_strided_slice %get3A_46 {offsets = [15], sizes = [1], strides = [1]} : vector<16xi32> to vector<1xi32>
      %squeeze3A_418 = vector.extract %slice3A_417[0] : i32 from vector<1xi32>
      %add3A_419 = arith.constant 15 : i32
      %add3A_420 = arith.addi %add3A_43, %add3A_419 : i32
      %dma_start3A_421 = arith.constant 0 : i32
      %dma_start3A_422 = tpu.memref_slice %arg16[%add3A_420, %dma_start3A_421] : memref<128x64xf32, #tpu.memory_space<vmem>> -> memref<1x64xf32, #tpu.memory_space<vmem>>
      %dma_start3A_423 = arith.constant 0 : i32
      %dma_start3A_424 = tpu.memref_slice %arg5[%squeeze3A_418, %dma_start3A_423] : memref<100000x64xf32, #tpu.memory_space<hbm>> -> memref<1x64xf32, #tpu.memory_space<hbm>>
      %dma_start3A_425 = arith.constant 0 : i32
      %dma_start3A_426 = tpu.memref_slice %arg16[%add3A_420, %dma_start3A_425] : memref<128x64xf32, #tpu.memory_space<vmem>> -> memref<1x64xf32, #tpu.memory_space<vmem>>
      %dma_start3A_427 = arith.constant 0 : i32
      %dma_start3A_428 = tpu.memref_slice %arg5[%squeeze3A_418, %dma_start3A_427] : memref<100000x64xf32, #tpu.memory_space<hbm>> -> memref<1x64xf32, #tpu.memory_space<hbm>>
      tpu.enqueue_dma source(%dma_start3A_428 : memref<1x64xf32, #tpu.memory_space<hbm>>) target(%dma_start3A_426 : memref<1x64xf32, #tpu.memory_space<vmem>>) target_semaphore(%arg20 : memref<!tpu.dma_semaphore, #tpu.memory_space<semaphore_mem>>)
    }
    %scan3A_16 = arith.constant 8 : i32
    %dma_wait3A = arith.constant 0 : i32
    %dma_wait3A_17 = arith.constant 0 : i32
    %dma_wait3A_18 = tpu.memref_slice %arg4[%dma_wait3A, %dma_wait3A_17] : memref<100000x64xf32, #tpu.memory_space<hbm>> -> memref<128x64xf32, #tpu.memory_space<hbm>>
    %dma_wait3A_19 = arith.constant 0 : i32
    %dma_wait3A_20 = arith.constant 0 : i32
    %dma_wait3A_21 = tpu.memref_slice %arg4[%dma_wait3A_19, %dma_wait3A_20] : memref<100000x64xf32, #tpu.memory_space<hbm>> -> memref<128x64xf32, #tpu.memory_space<hbm>>
    tpu.wait_dma2 semaphore(%arg20 : memref<!tpu.dma_semaphore, #tpu.memory_space<semaphore_mem>>) src(%dma_wait3A_21 : memref<128x64xf32, #tpu.memory_space<hbm>>) dst(%arg15 : memref<128x64xf32, #tpu.memory_space<vmem>>)
    %dma_wait3A_22 = arith.constant 0 : i32
    %dma_wait3A_23 = arith.constant 0 : i32
    %dma_wait3A_24 = tpu.memref_slice %arg5[%dma_wait3A_22, %dma_wait3A_23] : memref<100000x64xf32, #tpu.memory_space<hbm>> -> memref<128x64xf32, #tpu.memory_space<hbm>>
    %dma_wait3A_25 = arith.constant 0 : i32
    %dma_wait3A_26 = arith.constant 0 : i32
    %dma_wait3A_27 = tpu.memref_slice %arg5[%dma_wait3A_25, %dma_wait3A_26] : memref<100000x64xf32, #tpu.memory_space<hbm>> -> memref<128x64xf32, #tpu.memory_space<hbm>>
    tpu.wait_dma2 semaphore(%arg20 : memref<!tpu.dma_semaphore, #tpu.memory_space<semaphore_mem>>) src(%dma_wait3A_27 : memref<128x64xf32, #tpu.memory_space<hbm>>) dst(%arg16 : memref<128x64xf32, #tpu.memory_space<vmem>>)
    %dma_wait3A_28 = arith.constant 0 : i32
    %dma_wait3A_29 = arith.constant 0 : i32
    %dma_wait3A_30 = tpu.memref_slice %arg6[%dma_wait3A_28, %dma_wait3A_29] : memref<782x128xf32, #tpu.memory_space<hbm>> -> memref<782x128xf32, #tpu.memory_space<hbm>>
    tpu.wait_indirect_dma semaphore(%arg21 : memref<!tpu.dma_semaphore, #tpu.memory_space<semaphore_mem>>) src(%dma_wait3A_30 : memref<782x128xf32, #tpu.memory_space<hbm>>) dst(%arg17 : memref<128x128xf32, #tpu.memory_space<vmem>>)
    %dma_wait3A_31 = arith.constant 0 : i32
    %dma_wait3A_32 = arith.constant 0 : i32
    %dma_wait3A_33 = tpu.memref_slice %arg7[%dma_wait3A_31, %dma_wait3A_32] : memref<782x128xf32, #tpu.memory_space<hbm>> -> memref<782x128xf32, #tpu.memory_space<hbm>>
    tpu.wait_indirect_dma semaphore(%arg21 : memref<!tpu.dma_semaphore, #tpu.memory_space<semaphore_mem>>) src(%dma_wait3A_33 : memref<782x128xf32, #tpu.memory_space<hbm>>) dst(%arg18 : memref<128x128xf32, #tpu.memory_space<vmem>>)
    %scan3A_34 = arith.constant 0 : i32
    %scan3A_35 = arith.constant 8 : i32
    %scan3A_36 = arith.addi %scan3A_34, %scan3A_35 : i32
    %scan3A_37 = arith.constant 1 : i32
    scf.for %scan3A_39 = %scan3A_34 to %scan3A_36 step %scan3A_37  : i32 {
      %mul3A_40 = arith.constant 16 : i32
      %mul3A_41 = arith.muli %scan3A_39, %mul3A_40 : i32
      %add3A_42 = arith.constant 0 : i32
      %add3A_43 = arith.addi %add3A_42, %mul3A_41 : i32
      %iota3A = tpu.iota {dimensions = array<i32: 0>} : vector<16xi32>
      %add3A_44 = vector.broadcast %add3A_43 : i32 to vector<16xi32>
      %add3A_45 = arith.addi %add3A_44, %iota3A : vector<16xi32>
      %get3A = arith.index_cast %add3A_43 : i32 to index
      %get3A_46 = tpu.vector_load %arg11[%get3A] {strides = array<i32>} : memref<128xi32, #tpu.memory_space<vmem>>, vector<16xi32>,
      %and3A = arith.constant 127 : i32
      %and3A_47 = vector.broadcast %and3A : i32 to vector<16xi32>
      %and3A_48 = arith.andi %get3A_46, %and3A_47 : vector<16xi32>
      %gather3A = tpu.vector_load_idx %arg17[%add3A_45, %and3A_48] : memref<128x128xf32, #tpu.memory_space<vmem>>[vector<16xi32>, vector<16xi32>], vector<16xf32>,
      %get3A_49 = arith.index_cast %add3A_43 : i32 to index
      %get3A_50 = tpu.vector_load %arg12[%get3A_49] {strides = array<i32>} : memref<128xi32, #tpu.memory_space<vmem>>, vector<16xi32>,
      %and3A_51 = arith.constant 127 : i32
      %and3A_52 = vector.broadcast %and3A_51 : i32 to vector<16xi32>
      %and3A_53 = arith.andi %get3A_50, %and3A_52 : vector<16xi32>
      %gather3A_54 = tpu.vector_load_idx %arg18[%add3A_45, %and3A_53] : memref<128x128xf32, #tpu.memory_space<vmem>>[vector<16xi32>, vector<16xi32>], vector<16xf32>,
      %add3A_55 = arith.addf %gather3A, %gather3A_54 : vector<16xf32>
      %swap3A = arith.index_cast %add3A_43 : i32 to index
      %swap3A_56 = tpu.vector_load %arg19[%swap3A] {strides = array<i32>} : memref<128xf32, #tpu.memory_space<vmem>>, vector<16xf32>,
      tpu.vector_store %arg19[%swap3A], %add3A_55 {strides = array<i32>} : memref<128xf32, #tpu.memory_space<vmem>>, vector<16xf32>,
    }
    %scan3A_38 = arith.constant 8 : i32
    "tpu.region"() ({
      %run_scoped3A = tpu.sem_alloc : memref<!tpu.dma_semaphore, #tpu.memory_space<semaphore_mem>>
      %dma_start3A_39 = arith.constant 0 : i32
      %dma_start3A_40 = tpu.memref_slice %arg8[%mul3A_2, %dma_start3A_39] : memref<4096x64xf32, #tpu.memory_space<hbm>> -> memref<128x64xf32, #tpu.memory_space<hbm>>
      %dma_start3A_41 = arith.constant 0 : i32
      %dma_start3A_42 = tpu.memref_slice %arg8[%mul3A_2, %dma_start3A_41] : memref<4096x64xf32, #tpu.memory_space<hbm>> -> memref<128x64xf32, #tpu.memory_space<hbm>>
      tpu.enqueue_dma source(%arg15 : memref<128x64xf32, #tpu.memory_space<vmem>>) target(%dma_start3A_42 : memref<128x64xf32, #tpu.memory_space<hbm>>) target_semaphore(%run_scoped3A : memref<!tpu.dma_semaphore, #tpu.memory_space<semaphore_mem>>)
      %dma_wait3A_43 = arith.constant 0 : i32
      %dma_wait3A_44 = tpu.memref_slice %arg8[%mul3A_2, %dma_wait3A_43] : memref<4096x64xf32, #tpu.memory_space<hbm>> -> memref<128x64xf32, #tpu.memory_space<hbm>>
      %dma_wait3A_45 = arith.constant 0 : i32
      %dma_wait3A_46 = tpu.memref_slice %arg8[%mul3A_2, %dma_wait3A_45] : memref<4096x64xf32, #tpu.memory_space<hbm>> -> memref<128x64xf32, #tpu.memory_space<hbm>>
      tpu.wait_dma2 semaphore(%run_scoped3A : memref<!tpu.dma_semaphore, #tpu.memory_space<semaphore_mem>>) src(%arg15 : memref<128x64xf32, #tpu.memory_space<vmem>>) dst(%dma_wait3A_46 : memref<128x64xf32, #tpu.memory_space<hbm>>)
      tpu.yield
    }) : () -> ()
    "tpu.region"() ({
      %run_scoped3A = tpu.sem_alloc : memref<!tpu.dma_semaphore, #tpu.memory_space<semaphore_mem>>
      %dma_start3A_39 = arith.constant 0 : i32
      %dma_start3A_40 = tpu.memref_slice %arg9[%mul3A_2, %dma_start3A_39] : memref<4096x64xf32, #tpu.memory_space<hbm>> -> memref<128x64xf32, #tpu.memory_space<hbm>>
      %dma_start3A_41 = arith.constant 0 : i32
      %dma_start3A_42 = tpu.memref_slice %arg9[%mul3A_2, %dma_start3A_41] : memref<4096x64xf32, #tpu.memory_space<hbm>> -> memref<128x64xf32, #tpu.memory_space<hbm>>
      tpu.enqueue_dma source(%arg16 : memref<128x64xf32, #tpu.memory_space<vmem>>) target(%dma_start3A_42 : memref<128x64xf32, #tpu.memory_space<hbm>>) target_semaphore(%run_scoped3A : memref<!tpu.dma_semaphore, #tpu.memory_space<semaphore_mem>>)
      %dma_wait3A_43 = arith.constant 0 : i32
      %dma_wait3A_44 = tpu.memref_slice %arg9[%mul3A_2, %dma_wait3A_43] : memref<4096x64xf32, #tpu.memory_space<hbm>> -> memref<128x64xf32, #tpu.memory_space<hbm>>
      %dma_wait3A_45 = arith.constant 0 : i32
      %dma_wait3A_46 = tpu.memref_slice %arg9[%mul3A_2, %dma_wait3A_45] : memref<4096x64xf32, #tpu.memory_space<hbm>> -> memref<128x64xf32, #tpu.memory_space<hbm>>
      tpu.wait_dma2 semaphore(%run_scoped3A : memref<!tpu.dma_semaphore, #tpu.memory_space<semaphore_mem>>) src(%arg16 : memref<128x64xf32, #tpu.memory_space<vmem>>) dst(%dma_wait3A_46 : memref<128x64xf32, #tpu.memory_space<hbm>>)
      tpu.yield
    }) : () -> ()
    "tpu.region"() ({
      %run_scoped3A = tpu.sem_alloc : memref<!tpu.dma_semaphore, #tpu.memory_space<semaphore_mem>>
      %dma_start3A_39 = tpu.memref_slice %arg10[%mul3A_2] : memref<4096xf32, #tpu.memory_space<hbm>> -> memref<128xf32, #tpu.memory_space<hbm>>
      %dma_start3A_40 = tpu.memref_slice %arg10[%mul3A_2] : memref<4096xf32, #tpu.memory_space<hbm>> -> memref<128xf32, #tpu.memory_space<hbm>>
      tpu.enqueue_dma source(%arg19 : memref<128xf32, #tpu.memory_space<vmem>>) target(%dma_start3A_40 : memref<128xf32, #tpu.memory_space<hbm>>) target_semaphore(%run_scoped3A : memref<!tpu.dma_semaphore, #tpu.memory_space<semaphore_mem>>)
      %dma_wait3A_41 = tpu.memref_slice %arg10[%mul3A_2] : memref<4096xf32, #tpu.memory_space<hbm>> -> memref<128xf32, #tpu.memory_space<hbm>>
      %dma_wait3A_42 = tpu.memref_slice %arg10[%mul3A_2] : memref<4096xf32, #tpu.memory_space<hbm>> -> memref<128xf32, #tpu.memory_space<hbm>>
      tpu.wait_dma2 semaphore(%run_scoped3A : memref<!tpu.dma_semaphore, #tpu.memory_space<semaphore_mem>>) src(%arg19 : memref<128xf32, #tpu.memory_space<vmem>>) dst(%dma_wait3A_42 : memref<128xf32, #tpu.memory_space<hbm>>)
      tpu.yield
    }) : () -> ()
    return
  }
}

module attributes {stable_mosaic.version = 14 : i64} {
  func.func @_tc_body(%arg0: i32, %arg1: memref<4096x64xf32, #tpu.memory_space<vmem>>, %arg2: memref<4096x64xf32, #tpu.memory_space<vmem>>, %arg3: memref<512x1xf32, #tpu.memory_space<vmem>>, %arg4: memref<512x4096xf32, #tpu.memory_space<vmem>>, %arg5: memref<1x4096xf32, #tpu.memory_space<vmem>>) attributes {dimension_semantics = [#tpu.dimension_semantics<arbitrary>], iteration_bounds = array<i64: 8>, scalar_prefetch = 0 : i64, scratch_operands = 1 : i64, tpu.core_type = #tpu.core_type<tc>, window_params = [{pipeline_mode = #tpu.pipeline_mode<synchronous>, transform_indices = @transform_0, window_bounds = array<i64: 4096, 64>}, {pipeline_mode = #tpu.pipeline_mode<synchronous>, transform_indices = @transform_1, window_bounds = array<i64: 4096, 64>}, {transform_indices = @transform_2, window_bounds = array<i64: 512, 1>}, {transform_indices = @transform_3, window_bounds = array<i64: 512, 4096>}]} {
    %eq3A = arith.constant 0 : i32
    %eq3A_0 = arith.cmpi eq, %arg0, %eq3A : i32
    %convert_element_type3A = arith.extui %eq3A_0 : i1 to i32
    %cond3A = arith.constant 0 : i32
    %cond3A_1 = arith.cmpi ne, %convert_element_type3A, %cond3A : i32
    scf.if %cond3A_1 {
      %get3A_11 = arith.constant 0 : index
      %get3A_12 = arith.constant 0 : index
      %get3A_13 = vector.load %arg1[%get3A_11, %get3A_12] : memref<4096x64xf32, #tpu.memory_space<vmem>>, vector<4096x64xf32>
      %get3A_14 = arith.constant 0 : index
      %get3A_15 = arith.constant 0 : index
      %get3A_16 = vector.load %arg2[%get3A_14, %get3A_15] : memref<4096x64xf32, #tpu.memory_space<vmem>>, vector<4096x64xf32>
      %mul3A = arith.mulf %get3A_13, %get3A_16 : vector<4096x64xf32>
      %reduce_sum3A = arith.constant dense<0.000000e+00> : vector<4096xf32>
      %reduce_sum3A_17 = vector.multi_reduction <add>, %mul3A, %reduce_sum3A [1] : vector<4096x64xf32> to vector<4096xf32>
      %reshape3A = vector.shape_cast %reduce_sum3A_17 : vector<4096xf32> to vector<1x4096xf32>
      %swap3A_18 = arith.constant 0 : index
      %swap3A_19 = arith.constant 0 : index
      %swap3A_20 = vector.load %arg5[%swap3A_18, %swap3A_19] : memref<1x4096xf32, #tpu.memory_space<vmem>>, vector<1x4096xf32>
      tpu.vector_store %arg5[%swap3A_18, %swap3A_19], %reshape3A {strides = array<i32>} : memref<1x4096xf32, #tpu.memory_space<vmem>>, vector<1x4096xf32>,
    } else {
    }
    %get3A = arith.constant 0 : index
    %get3A_2 = arith.constant 0 : index
    %get3A_3 = vector.load %arg5[%get3A, %get3A_2] : memref<1x4096xf32, #tpu.memory_space<vmem>>, vector<1x4096xf32>
    %get3A_4 = arith.constant 0 : index
    %get3A_5 = arith.constant 0 : index
    %get3A_6 = vector.load %arg3[%get3A_4, %get3A_5] : memref<512x1xf32, #tpu.memory_space<vmem>>, vector<512x1xf32>
    %add3A = vector.broadcast %get3A_3 : vector<1x4096xf32> to vector<512x4096xf32>
    %add3A_7 = vector.broadcast %get3A_6 : vector<512x1xf32> to vector<512x4096xf32>
    %add3A_8 = arith.addf %add3A, %add3A_7 : vector<512x4096xf32>
    %swap3A = arith.constant 0 : index
    %swap3A_9 = arith.constant 0 : index
    %swap3A_10 = vector.load %arg4[%swap3A, %swap3A_9] : memref<512x4096xf32, #tpu.memory_space<vmem>>, vector<512x4096xf32>
    tpu.vector_store %arg4[%swap3A, %swap3A_9], %add3A_8 {strides = array<i32>} : memref<512x4096xf32, #tpu.memory_space<vmem>>, vector<512x4096xf32>,
    return
  }
  func.func @transform_0(%arg0: i32) -> (i32, i32) {
    %c0_i32 = arith.constant 0 : i32
    %c0_i32_0 = arith.constant 0 : i32
    %c0_i32_1 = arith.constant 0 : i32
    return %c0_i32, %c0_i32_0 : i32, i32
  }
  func.func @transform_1(%arg0: i32) -> (i32, i32) {
    %c0_i32 = arith.constant 0 : i32
    %c0_i32_0 = arith.constant 0 : i32
    %c0_i32_1 = arith.constant 0 : i32
    return %c0_i32, %c0_i32_0 : i32, i32
  }
  func.func @transform_2(%arg0: i32) -> (i32, i32) {
    %c0_i32 = arith.constant 0 : i32
    %c0_i32_0 = arith.constant 0 : i32
    return %arg0, %c0_i32 : i32, i32
  }
  func.func @transform_3(%arg0: i32) -> (i32, i32) {
    %c0_i32 = arith.constant 0 : i32
    %c0_i32_0 = arith.constant 0 : i32
    return %arg0, %c0_i32 : i32, i32
  }
}

</mosaic_0001>

<sc_bundles>
// kernel: kernel.4.cloned.1.call-start
scs
__scs_entry_jumppad:
0x0: {  	(pc) =	sbr.rel $0x88, $3  }
0x1: {  	(tag) =	ssettag $0x0;
	lr =	simm.s32 $0x1  }
0x2: {  	[smem:$0x3F9B] =	sst lr;
	_ =	strace $0xD0000000  }
0x3: {  	_ = 	snop  }
0x4: {  	_ = 	snop  }
0x5: {  	_ = 	snop  }
0x6: {  	_ = 	snop  }
0x7: {  	_ = 	snop  }
__scs_overlays_trampoline_lowered:
0x8: {  	[smem:$0x3FAA] =	sst s0  }
0x9: {  	[smem:$0x3FAB] =	sst s1  }
0xa: {  	[smem:$0x3FAC] =	sst s2  }
0xb: {  	[smem:$0x3FAD] =	sst s3  }
0xc: {  	[smem:$0x3FAE] =	sst s4  }
0xd: {  	[smem:$0x3FAF] =	sst s5  }
0xe: {  	[smem:$0x3FB0] =	sst s6  }
0xf: {  	[smem:$0x3FB1] =	sst s7  }
0x10: {  	[smem:$0x3FB2] =	sst s8  }
0x11: {  	[smem:$0x3FB3] =	sst s9;
	s0 =	simm.s32 @!p0 $0x0  }
0x12: {  	s1 =	sld [smem:$0x3F99];
	s0 =	simm.s32 @p0 $0x1  }
0x13: {  	[smem:$0x3FB4] =	sst s0;
	s0 =	simm.s32 @!p1 $0x0  }
0x14: {  	s2 =	sld [smem:$0x3F98];
	s0 =	simm.s32 @p1 $0x1  }
0x15: {  	[smem:$0x3FB5] =	sst s0;
	s0 =	simm.s32 @!p2 $0x0  }
0x16: {  	s3 =	sld [smem:$0x3FDB];
	s0 =	simm.s32 @p2 $0x1  }
0x17: {  	s4 =	simm.s32 $0x1BF5;
	[smem:$0x3FB7] =	sst s0  }
0x18: {  	s0 =	sld [smem:$0x3F9A];
	_ =	swait.ge [sflag:s4], $0x0  }
0x19: {  	s7 =	sld [smem:$0x3F9B]  }
0x1a: {  	s8 =	sadd.s32 $0xFFFFE003, lr  }
0x1b: {  	s9 =	sadd.s32 $0xFFFFFEF7, lr;
	s5 =	simm.s32 $0xFFFFFFFF;
	p2 =	slt.u32 s8, $0xFFFFF086  }
0x1c: {  	p1 =	slt.u32 s9, $0xF7A;
	s5 =	simm.s32 @!p2 $0x0  }
0x1d: {  	s5 =	simm.s32 @p1 $0x1;
	p0 =	seq.s32 s7, s2  }
0x1e: {  	s7 =	smul.u32 @!p0 $0xF7A, s2;
	p2 =	seq.s32 @!p0 s5, $0x0  }
0x1f: {  	s9 =	smul.u32 $0xF7A, s1;
	s8 =	simm.s32 @!p0 $0x1BF5;
	p2 =	por !p2, p0  }
0x20: {  	[sflag:s8] =	ssyncset.s32 @!p0 $0xFFFFF086;
	s6 =	sadd.s32 @!p0 s3, s7;
	s7 =	simm.s32 @!p0 $0x108  }
0x21: {  	s3 =	sadd.s32 s3, s9;
	s6 =	sadd.s32 @!p0 $0x88, s6;
	s7 =	simm.s32 @p2 $0x1082  }
0x22: {  	[simem:s7], [sflag:s8] =	dma.local @!p0 [hbm:s6], $0xF7A  }
0x23: {  	s9 =	sor.u32 $0xD0000000, s2;
	s6 =	simm.s32 $0x108;
	_ =	swait.ge @!p0 [sflag:s8], $0x0  }
0x24: {  	s3 =	sadd.s32 $0x88, s3;
	s6 =	simm.s32 @!p1 $0x1082;
	[sflag:s4] =	ssyncset.s32 $0xFFFFF086  }
0x25: {  	[simem:s6], [sflag:s4] =	dma.local [hbm:s3], $0xF7A  }
0x26: {  	[smem:$0x3F9B] =	sst s1;
	(tag) =	ssettag s2;
	_ =	strace s9  }
0x27: {  	s1 =	sld [smem:$0x3FAB]  }
0x28: {  	s2 =	sld [smem:$0x3FAC]  }
0x29: {  	s4 =	sld [smem:$0x3FAE]  }
0x2a: {  	p0 =	seq.s32 s5, $0x0;
	s5 =	sld [smem:$0x3FAF]  }
0x2b: {  	s6 =	sld [smem:$0x3FB0]  }
0x2c: {  	s7 =	sld [smem:$0x3FB1]  }
0x2d: {  	s3 =	simm.s32 $0x108;
	s8 =	sld [smem:$0x3FB2]  }
0x2e: {  	s3 =	simm.s32 @!p0 $0x1082;
	s9 =	sld [smem:$0x3FB3]  }
0x2f: {  	lr =	sadd.s32 s0, s3;
	s0 =	sld [smem:$0x3FAA]  }
0x30: {  	s3 =	sld [smem:$0x3FAD]  }
0x31: {  	[smem:$0x3FB6] =	sst s10  }
0x32: {  	s10 =	sld [smem:$0x3FB4];
	_ =	sdelay $0x3  }
0x33: {  	p0 =	seq.s32 s10, $0x1;
	s10 =	sld [smem:$0x3FB6];
	_ =	sdelay $0x3  }
0x34: {  	[smem:$0x3FB6] =	sst s10  }
0x35: {  	s10 =	sld [smem:$0x3FB5];
	_ =	sdelay $0x3  }
0x36: {  	p1 =	seq.s32 s10, $0x1;
	s10 =	sld [smem:$0x3FB6];
	_ =	sdelay $0x3  }
0x37: {  	[smem:$0x3FB6] =	sst s10  }
0x38: {  	s10 =	sld [smem:$0x3FB7]  }
0x39: {  	_ = 	snop;
	(pc) =	sbr.ind lr, $3  }
0x3a: {  	_ = 	snop  }
0x3b: {  	_ = 	snop  }
0x3c: {  	p2 =	seq.s32 s10, $0x1;
	s10 =	sld [smem:$0x3FB6]  }
0x3d: {  	_ =	shalt  }
0x3e: {  	_ =	shalt  }
0x3f: {  	_ =	shalt  }
0x40: {  	_ =	shalt  }
0x41: {  	_ =	shalt  }
0x42: {  	_ =	shalt  }
0x43: {  	_ =	shalt  }
0x44: {  	_ =	shalt  }
0x45: {  	_ =	shalt  }
0x46: {  	_ =	shalt  }
0x47: {  	_ =	shalt  }
0x48: {  	_ =	shalt  }
0x49: {  	_ =	shalt  }
0x4a: {  	_ =	shalt  }
0x4b: {  	_ =	shalt  }
0x4c: {  	_ =	shalt  }
0x4d: {  	_ =	shalt  }
0x4e: {  	_ =	shalt  }
0x4f: {  	_ =	shalt  }
0x50: {  	_ =	shalt  }
0x51: {  	_ =	shalt  }
0x52: {  	_ =	shalt  }
0x53: {  	_ =	shalt  }
0x54: {  	_ =	shalt  }
0x55: {  	_ =	shalt  }
0x56: {  	_ =	shalt  }
0x57: {  	_ =	shalt  }
0x58: {  	_ =	shalt  }
0x59: {  	_ =	shalt  }
0x5a: {  	_ =	shalt  }
0x5b: {  	_ =	shalt  }
0x5c: {  	_ =	shalt  }
0x5d: {  	_ =	shalt  }
0x5e: {  	_ =	shalt  }
0x5f: {  	_ =	shalt  }
0x60: {  	_ =	shalt  }
0x61: {  	_ =	shalt  }
0x62: {  	_ =	shalt  }
0x63: {  	_ =	shalt  }
0x64: {  	_ =	shalt  }
0x65: {  	_ =	shalt  }
0x66: {  	_ =	shalt  }
0x67: {  	_ =	shalt  }
0x68: {  	_ =	shalt  }
0x69: {  	_ =	shalt  }
0x6a: {  	_ =	shalt  }
0x6b: {  	_ =	shalt  }
0x6c: {  	_ =	shalt  }
0x6d: {  	_ =	shalt  }
0x6e: {  	_ =	shalt  }
0x6f: {  	_ =	shalt  }
0x70: {  	_ =	shalt  }
0x71: {  	_ =	shalt  }
0x72: {  	_ =	shalt  }
0x73: {  	_ =	shalt  }
0x74: {  	_ =	shalt  }
0x75: {  	_ =	shalt  }
0x76: {  	_ =	shalt  }
0x77: {  	_ =	shalt  }
0x78: {  	_ =	shalt  }
0x79: {  	_ =	shalt  }
0x7a: {  	_ =	shalt  }
0x7b: {  	_ =	shalt  }
0x7c: {  	_ =	shalt  }
0x7d: {  	_ =	shalt  }
0x7e: {  	_ =	shalt  }
0x7f: {  	_ =	shalt  }
0x80: {  	_ =	shalt  }
0x81: {  	_ =	shalt  }
0x82: {  	_ =	shalt  }
0x83: {  	_ =	shalt  }
0x84: {  	_ =	shalt  }
0x85: {  	_ =	shalt  }
0x86: {  	_ =	shalt  }
0x87: {  	_ =	shalt  }
.Lfunc_end0:
.L_simem_size_0:
called_computation_lowered:
.L_overlay_start_0:
0x88: {  	s2 =	sld [smem:$0x3FD9]  }
0x89: {  	s3 =	sld [smem:$0x3FFE];
	_ =	sdelay $0x1  }
0x8a: {  	s1 =	srdreg.scid  }
0x8b: {  	s0 =	sand.u32 $0x1, s1  }
0x8c: {  	s17 =	sshll.u32 s0, $0xA;
	s2 =	sadd.s32 s3, s2  }
0x8d: {  	s2 =	sadd.s32 s2, s17  }
0x8e: {  	[smem:$0x3FC2] =	sst s2  }
0x8f: {  	_ = 	snop  }
0x90: {  	s2 =	sld [smem:$0x3FC9]  }
0x91: {  	s18 =	sld [smem:$0x3FC8]  }
0x92: {  	s4 =	sld [smem:$0x3FD0];
	(tm) =	ssettm $0x1  }
0x93: {  	s5 =	sld [smem:$0x3FFB];
	_ =	sdelay $0x3  }
0x94: {  	_ =	strace s5  }
0x95: {  	s5 =	sld [smem:$0x3FFC];
	_ =	sdelay $0x3  }
0x96: {  	_ =	strace s5  }
0x97: {  	s5 =	sld [smem:$0x3FFD];
	_ =	sdelay $0x3  }
0x98: {  	_ =	strace s5  }
0x99: {  	_ =	strace $0x8FFFFFFF  }
0x9a: {  	s19 =	sld [smem:$0x3FDB];
	_ =	sdelay $0x1  }
0x9b: {  	s6 =	simm.s32 $_scs_section_size  }
0x9c: {  	s7 =	simm.s32 $_size__tile_overlayer_lowered;
	s8 =	simm.s32 $_tile_overlayer_lowered  }
0x9d: {  	s22 =	simm.s32 $0x1BFF;
	s21 =	sshll.u32 s8, $0x1;
	s5 =	sadd.s32 s6, s19  }
0x9e: {  	s9 =	simm.s32 $0x0;
	s20 =	sshll.u32 s7, $0x1;
	s7 =	sadd.s32 s21, s5  }
0x9f: {  	[timem:s9], [sflag:s22] =	dma.local [hbm:s7], s20  }
0xa0: {  	_ =	swait.ge [sflag:s22], s20  }
0xa1: {  	s6 =	ssub.s32 $0x0, s20;
	[sflag:s22] =	ssyncset.done $0x0  }
0xa2: {  	[sflag:s22] =	ssyncadd.s32 s6;
	_ =	sdelay $0x1  }
0xa3: {  	s23 =	simm.s32 $0x1B8B  }
0xa4: {  	_ =	swait.ge [sflag:s23], $0x1  }
0xa5: {  	[sflag:s23] =	ssyncset.done $0x0  }
0xa6: {  	s25 =	simm.s32 $0x1B8E;
	s24 =	sld [smem:$0x3FFE];
	[sflag:s23] =	ssyncadd.s32 $0xFFFFFFFF  }
0xa7: {  	s26 =	simm.s32 $execute0_lowered;
	[smem:$0x3FD2] =	sst s25  }
0xa8: {  	s7 =	sshll.u32 s26, $0x1;
	_ =	strace $0x80000046;
	[dreg:$0x1] =	wrdreg $0xFFFFFFFF  }
0xa9: {  	s28 =	simm.s32 $_size_execute0_lowered;
	s5 =	sadd.s32 s5, s7;
	[dreg:$0x0] =	wrdreg $0x0  }
0xaa: {  	s7 =	sshll.u32 s28, $0x1;
	[dreg:$0x2] =	wrdreg s5  }
0xab: {  	[dreg:$0x3] =	wrdreg s7  }
0xac: {  	[dreg:$0x4] =	wrdreg $0xC0  }
0xad: {  	_ =	task [dreg:s9], $0x5FFFF  }
0xae: {  	[dreg:$0x1] =	wrdreg $0xFFFFFFFF  }
0xaf: {  	[dreg:$0x0] =	wrdreg $0x60  }
0xb0: {  	[dreg:$0x2] =	wrdreg s2  }
0xb1: {  	[dreg:$0x3] =	wrdreg s18  }
0xb2: {  	[dreg:$0x4] =	wrdreg s4  }
0xb3: {  	[dreg:$0x5] =	wrdreg s24  }
0xb4: {  	[dreg:$0x6] =	wrdreg $0x9  }
0xb5: {  	_ =	task.clear_ibuf [dreg:s9], $0x7FFFF;
	_ =	strace $0x90000046  }
0xb6: {  	s29 =	simm.s32 $0x9;
	_ =	strace $0x80000048  }
0xb7: {  	_ =	swait.ge [sflag:s29], $0x1  }
0xb8: {  	[sflag:s29] =	ssyncadd.s32 $0xFFFFFFFF  }
0xb9: {  	_ =	strace $0x90000048  }
0xba: {  	_ =	sfence  }
0xbb: {  	s30 =	sld [smem:$0x0];
	_ =	sdelay $0x2  }
0xbc: {  	s31 =	sshll.u32 s1, $0xD;
	s1 =	sshrl.u32 s1, $0x2  }
0xbd: {  	s3 =	sand.u32 $0x4000, s31;
	s1 =	sadd.s32 s1, s30  }
0xbe: {  	s0 =	sor.u32 s3, s0;
	s1 =	sshll.u32 s1, $0x11  }
0xbf: {  	s0 =	sor.u32 s1, s0  }
0xc0: {  	s0 =	sadd.s32 $0x8F2B, s0  }
0xc1: {  	[sflag:s0] =	ssyncadd.remote.s32 $0x1  }
0xc2: {  	_ =	sfence.sel $0xFFFF  }
0xc3: {  	[dreg:$0x0] =	wrdreg $0xFFFFFFFF;
	(pc) =	sbr.abs _section_cstart, $3  }
0xc4: {  	[dreg:$0x1] =	wrdreg $0xFFFFFFFF  }
0xc5: {  	_ =	task.clear_ibuf [dreg:s9], $0x2FFFF;
	_ =	strace $0x9FFFFFFF  }
0xc6: {  	(tm) =	ssettm $0x7FFFFFFF  }
0xc7: {  	_ =	shalt  }
tec
execute0_lowered:
.L_overlay_start_1:
0x0: {  	(tag) =	ssettag $0x1  }
0x1: {  	s0 =	rddreg [dreg:$0x0]  }
0x2: {  	s2 =	rddreg [dreg:$0x1]  }
0x3: {  	s13 =	rddreg [dreg:$0x2]  }
0x4: {  	s5 =	rddreg [dreg:$0x3];
	s3 =	simm.s32 $0x0;
	s4 =	srdreg.scid  }
0x5: {  	s1 =	stileid.u32;
	[smem:$0x7FF] =	sst s3  }
0x6: {  	s6 =	sand.u32 $0x1, s4;
	s4 =	sadd.s32 $0x2000, s5;
	s7 =	sshll.u32 s1, $0x8  }
0x7: {  	s24 =	sadd.s32 $0x18BC00, s5;
	s25 =	sadd.s32 $0x188A00, s5;
	s8 =	sshll.u32 s6, $0x7  }
0x8: {  	_ =	strace $0x80000047;
	[dreg:$0xe] =	wrdreg s24;
	s7 =	sor.u32 s8, s7  }
0x9: {  	s6 =	ssub.s32 $0x2, s6;
	s8 =	sshll.u32 s7, $0x4;
	s7 =	sshrl.u32 s7, $0x3  }
0xa: {  	[dreg:$0xf] =	wrdreg s25;
	s9 =	sshrl.u32 s6, $0x1;
	s0 =	sadd.s32 s0, s7  }
0xb: {  	s6 =	ssub.s32 s6, s9;
	s26 =	sadd.s32 s2, s7;
	[dreg:$0x10] =	wrdreg s0  }
0xc: {  	s8 =	sadd.s32 s8, s5;
	s31 =	smax.u32 s6, $0x1;
	[dreg:$0x11] =	wrdreg s26  }
0xd: {  	s1 =	simm.s32 $0x0;
	s28 =	sadd.s32 $0x18F000, s8;
	[dreg:$0x15] =	wrdreg s31  }
0xe: {  	s5 =	sadd.s32 s7, s5;
	s29 =	sadd.s32 $0x19F000, s8;
	[dreg:$0x12] =	wrdreg s28  }
0xf: {  	v0 =	vlaneseq.u32;
	s9 =	simm.s32 $0xC200;
	s30 =	sadd.s32 $0x18EE00, s5;
	[dreg:$0x13] =	wrdreg s29  }
0x10: {  	v0 =	vmul.u32 $0x80, v0;
	s2 =	simm.s32 $0x3;
	s8 =	simm.s32 $0x8200;
	[dreg:$0x14] =	wrdreg s30  }
.LBB2_1:
0x11: {  	[dreg:$0x16] =	wrdreg s1  }
0x12: {  	s0 =	rddreg [dreg:$0x10]  }
0x13: {  	[tilespmem:s3], [sflag:$0x3] =	stream.linear.gather [hbm4b:s0+s3], $0x80, $0x38;
	[tilespmem:$0x10280] =	vst v63  }
0x14: {  	_ =	swait.ge [sflag:s2], $0x80  }
0x15: {  	[sflag:s2] =	ssyncset.done $0x0  }
0x16: {  	s21 =	simm.s32 $0x80;
	s22 =	rddreg [dreg:$0x11];
	[sflag:s2] =	ssyncadd.s32 $0xFFFFFF80  }
0x17: {  	[tilespmem:s21], [sflag:$0x3] =	stream.linear.gather [hbm4b:s22+s3], $0x80, $0x38;
	[tilespmem:$0x10280] =	vst v63  }
0x18: {  	_ =	swait.ge [sflag:s2], $0x80  }
0x19: {  	[sflag:s2] =	ssyncset.done $0x0  }
0x1a: {  	[sflag:s2] =	ssyncadd.s32 $0xFFFFFF80  }
0x1b: {  	v1 =	vld [tilespmem:$0x0]  }
0x1c: {  	v2 =	vld [tilespmem:$0x80]  }
0x1d: {  	v3 =	vld [tilespmem:$0x10]  }
0x1e: {  	v4 =	vld [tilespmem:$0x90]  }
0x1f: {  	v5 =	vld [tilespmem:$0x20]  }
0x20: {  	v6 =	vld [tilespmem:$0xA0];
	v1 =	vshrl.u32 v1, $0x7  }
0x21: {  	[tilespmem:$0x100] =	vst v1;
	v1 =	vshrl.u32 v2, $0x7;
	v2 =	vld [tilespmem:$0x30]  }
0x22: {  	[tilespmem:$0x180] =	vst v1;
	v1 =	vshrl.u32 v3, $0x7;
	v3 =	vld [tilespmem:$0xB0]  }
0x23: {  	v58 =	vld [tilespmem:$0x40];
	[tilespmem:$0x110] =	vst v1;
	v1 =	vshrl.u32 v4, $0x7  }
0x24: {  	v59 =	vld [tilespmem:$0xC0];
	[tilespmem:$0x190] =	vst v1;
	v1 =	vshrl.u32 v5, $0x7  }
0x25: {  	v60 =	vld [tilespmem:$0x50];
	[tilespmem:$0x120] =	vst v1;
	v1 =	vshrl.u32 v6, $0x7  }
0x26: {  	[tilespmem:$0x1A0] =	vst v1;
	v1 =	vshrl.u32 v2, $0x7;
	v2 =	vld [tilespmem:$0xD0]  }
0x27: {  	[tilespmem:$0x130] =	vst v1;
	v1 =	vshrl.u32 v3, $0x7;
	v3 =	vld [tilespmem:$0x60]  }
0x28: {  	v61 =	vld [tilespmem:$0xE0];
	[tilespmem:$0x1B0] =	vst v1;
	v1 =	vshrl.u32 v58, $0x7  }
0x29: {  	v62 =	vld [tilespmem:$0x70];
	[tilespmem:$0x140] =	vst v1;
	v1 =	vshrl.u32 v59, $0x7  }
0x2a: {  	v63 =	vld [tilespmem:$0xF0];
	[tilespmem:$0x1C0] =	vst v1;
	v1 =	vshrl.u32 v60, $0x7  }
0x2b: {  	[tilespmem:$0x150] =	vst v1;
	v1 =	vshrl.u32 v2, $0x7  }
0x2c: {  	[tilespmem:$0x1D0] =	vst v1;
	v1 =	vshrl.u32 v3, $0x7  }
0x2d: {  	[tilespmem:$0x160] =	vst v1;
	v1 =	vshrl.u32 v61, $0x7  }
0x2e: {  	[tilespmem:$0x1E0] =	vst v1;
	v1 =	vshrl.u32 v62, $0x7  }
0x2f: {  	[tilespmem:$0x170] =	vst v1;
	v1 =	vshrl.u32 v63, $0x7  }
0x30: {  	s24 =	simm.s32 $0x100;
	s23 =	rddreg [dreg:$0xe];
	[tilespmem:$0x1F0] =	vst v1  }
0x31: {  	[tilespmem:s8], [sflag:$0x2] =	stream.indirect.gather [hbm4b:s23+s21], $0x80, s24, s21, $0xb8;
	[tilespmem:$0x10280] =	vst v63  }
0x32: {  	s26 =	simm.s32 $0x180;
	s25 =	rddreg [dreg:$0xf]  }
0x33: {  	[tilespmem:s9], [sflag:$0x2] =	stream.indirect.gather [hbm4b:s25+s21], $0x80, s26, s21, $0xb8;
	[tilespmem:$0x10280] =	vst v63  }
0x34: {  	v1 =	vld [tilespmem:s3+$0x0]  }
0x35: {  	v3 =	vld [tilespmem:s21+$0x0];
	_ =	sdelay $0x3  }
0x36: {  	v2 =	vshll.u32 v1, $0x4  }
0x37: {  	v1 =	vshll.u32 v3, $0x4;
	(v2sf) =	vpush v2, $0x0  }
0x38: {  	(v2sf) =	vpush v1, $0x0  }
0x39: {  	(v2sf) =	vpush v2, $0x1;
	_ =	sdelay $0x2  }
0x3a: {  	(v2sf) =	vpush v1, $0x1;
	_ =	sdelay $0x1  }
0x3b: {  	(v2sf) =	vpush v2, $0x2;
	_ =	sdelay $0x1  }
0x3c: {  	(v2sf) =	vpush v1, $0x2;
	_ =	sdelay $0x1  }
0x3d: {  	s6 =	simm.s32 $0x4200;
	(v2sf) =	vpush v2, $0x3  }
0x3e: {  	s5 =	simm.s32 $0x480;
	s7 =	simm.s32 $0x200;
	s10 =	simm.s32 $0x380  }
0x3f: {  	s15 =	simm.s32 $0x4280;
	s17 =	simm.s32 $0x300;
	s20 =	simm.s32 $0x4300  }
0x40: {  	s30 =	simm.s32 $0x10;
	s31 =	simm.s32 $0x90;
	s0 =	simm.s32 $0x4700  }
0x41: {  	s2 =	simm.s32 $0x680;
	s24 =	simm.s32 $0x0;
	s28 =	spop (v2sf);
	(v2sf) =	vpush v1, $0x3  }
0x42: {  	s25 =	simm.s32 $0x2000;
	s8 =	sand.u32 $0x1FFFFFF0, s28;
	s11 =	spop (v2sf)  }
0x43: {  	s9 =	simm.s32 $0x400;
	(v2sf) =	vpush v2, $0x4;
	s8 =	sadd.s32 s13, s8;
	s1 =	spop (v2sf)  }
0x44: {  	(v2sf) =	vpush v1, $0x4;
	[tilespmem:s7], [sflag:$0x1] =	stream.linear.gather [hbm4b:s8+s3], $0x80, $0x38;
	[tilespmem:$0x10280] =	vst v63  }
0x45: {  	s28 =	simm.s32 $0x4400;
	s29 =	sand.u32 $0x1FFFFFF0, s11;
	s11 =	sand.u32 $0x1FFFFFF0, s1  }
0x46: {  	s8 =	sadd.s32 s4, s29;
	s12 =	spop (v2sf);
	s11 =	sadd.s32 s13, s11  }
0x47: {  	(v2sf) =	vpush v2, $0x5;
	[tilespmem:s6], [sflag:$0x1] =	stream.linear.gather [hbm4b:s8+s3], $0x80, $0x38;
	[tilespmem:$0x10280] =	vst v63  }
0x48: {  	s14 =	sand.u32 $0x1FFFFFF0, s12;
	s16 =	spop (v2sf);
	(v2sf) =	vpush v1, $0x5;
	s8 =	simm.s32 $0x280  }
0x49: {  	[tilespmem:s8], [sflag:$0x1] =	stream.linear.gather [hbm4b:s11+s3], $0x80, $0x38;
	[tilespmem:$0x10280] =	vst v63  }
0x4a: {  	(v2sf) =	vpush v2, $0x6;
	s18 =	spop (v2sf);
	s11 =	sadd.s32 s4, s14;
	s8 =	sand.u32 $0x1FFFFFF0, s16  }
0x4b: {  	[tilespmem:s15], [sflag:$0x1] =	stream.linear.gather [hbm4b:s11+s3], $0x80, $0x38;
	[tilespmem:$0x10280] =	vst v63  }
0x4c: {  	s19 =	spop (v2sf);
	s8 =	sadd.s32 s13, s8;
	s11 =	sand.u32 $0x1FFFFFF0, s18  }
0x4d: {  	[tilespmem:s17], [sflag:$0x1] =	stream.linear.gather [hbm4b:s8+s3], $0x80, $0x38;
	[tilespmem:$0x10280] =	vst v63  }
0x4e: {  	s7 =	simm.s32 $0x4380;
	(v2sf) =	vpush v1, $0x6;
	s22 =	sand.u32 $0x1FFFFFF0, s19;
	s21 =	sadd.s32 s4, s11  }
0x4f: {  	[tilespmem:s20], [sflag:$0x1] =	stream.linear.gather [hbm4b:s21+s3], $0x80, $0x38;
	[tilespmem:$0x10280] =	vst v63  }
0x50: {  	s12 =	simm.s32 $0x4800;
	s26 =	sadd.s32 s13, s22;
	s23 =	spop (v2sf)  }
0x51: {  	[tilespmem:s10], [sflag:$0x1] =	stream.linear.gather [hbm4b:s26+s3], $0x80, $0x38;
	[tilespmem:$0x10280] =	vst v63  }
0x52: {  	s14 =	simm.s32 $0x4480;
	(v2sf) =	vpush v2, $0x7;
	s6 =	sand.u32 $0x1FFFFFF0, s23;
	s29 =	spop (v2sf)  }
0x53: {  	s15 =	simm.s32 $0x880;
	s6 =	sadd.s32 s4, s6;
	s1 =	spop (v2sf)  }
0x54: {  	(v2sf) =	vpush v1, $0x7;
	[tilespmem:s7], [sflag:$0x1] =	stream.linear.gather [hbm4b:s6+s3], $0x80, $0x38;
	[tilespmem:$0x10280] =	vst v63  }
0x55: {  	s17 =	simm.s32 $0x500;
	s10 =	sand.u32 $0x1FFFFFF0, s29;
	(v2sf) =	vpush v2, $0x8;
	s11 =	sand.u32 $0x1FFFFFF0, s1  }
0x56: {  	s10 =	sadd.s32 s13, s10;
	s16 =	spop (v2sf);
	s7 =	sadd.s32 s4, s11  }
0x57: {  	(v2sf) =	vpush v1, $0x8;
	s18 =	sand.u32 $0x1FFFFFF0, s16;
	s19 =	spop (v2sf);
	s11 =	simm.s32 $0x4880  }
0x58: {  	(v2sf) =	vpush v2, $0x9;
	[tilespmem:s9], [sflag:$0x1] =	stream.linear.gather [hbm4b:s10+s3], $0x80, $0x38;
	[tilespmem:$0x10280] =	vst v63  }
0x59: {  	s8 =	sadd.s32 s13, s18;
	s9 =	sand.u32 $0x1FFFFFF0, s19;
	s20 =	spop (v2sf)  }
0x5a: {  	(v2sf) =	vpush v1, $0x9;
	[tilespmem:s28], [sflag:$0x1] =	stream.linear.gather [hbm4b:s7+s3], $0x80, $0x38;
	[tilespmem:$0x10280] =	vst v63  }
0x5b: {  	s10 =	simm.s32 $0x580;
	s19 =	simm.s32 $0x600;
	s22 =	sand.u32 $0x1FFFFFF0, s20  }
0x5c: {  	(v2sf) =	vpush v2, $0xA;
	[tilespmem:s5], [sflag:$0x1] =	stream.linear.gather [hbm4b:s8+s3], $0x80, $0x38;
	[tilespmem:$0x10280] =	vst v63  }
0x5d: {  	s21 =	sadd.s32 s4, s9;
	s23 =	spop (v2sf);
	s26 =	sadd.s32 s13, s22  }
0x5e: {  	(v2sf) =	vpush v1, $0xA;
	[tilespmem:s14], [sflag:$0x1] =	stream.linear.gather [hbm4b:s21+s3], $0x80, $0x38;
	[tilespmem:$0x10280] =	vst v63  }
0x5f: {  	s28 =	simm.s32 $0x4500;
	s6 =	sand.u32 $0x1FFFFFF0, s23;
	s22 =	simm.s32 $0x4600  }
0x60: {  	[tilespmem:s17], [sflag:$0x1] =	stream.linear.gather [hbm4b:s26+s3], $0x80, $0x38;
	[tilespmem:$0x10280] =	vst v63  }
0x61: {  	s6 =	sadd.s32 s4, s6;
	s5 =	simm.s32 $0x4780;
	s29 =	spop (v2sf)  }
0x62: {  	(v2sf) =	vpush v2, $0xB;
	[tilespmem:s28], [sflag:$0x1] =	stream.linear.gather [hbm4b:s6+s3], $0x80, $0x38;
	[tilespmem:$0x10280] =	vst v63  }
0x63: {  	s17 =	simm.s32 $0x4580;
	s8 =	sand.u32 $0x1FFFFFF0, s29;
	s1 =	spop (v2sf)  }
0x64: {  	s28 =	simm.s32 $0x4680;
	(v2sf) =	vpush v1, $0xB;
	s14 =	sadd.s32 s13, s8;
	s18 =	spop (v2sf)  }
0x65: {  	[tilespmem:s10], [sflag:$0x1] =	stream.linear.gather [hbm4b:s14+s3], $0x80, $0x38;
	[tilespmem:$0x10280] =	vst v63  }
0x66: {  	s16 =	sand.u32 $0x1FFFFFF0, s1;
	s1 =	simm.s32 $0x700;
	s20 =	spop (v2sf)  }
0x67: {  	s8 =	sadd.s32 s4, s16;
	s7 =	sand.u32 $0x1FFFFFF0, s18;
	s21 =	spop (v2sf)  }
0x68: {  	(v2sf) =	vpush v2, $0xC;
	[tilespmem:s17], [sflag:$0x1] =	stream.linear.gather [hbm4b:s8+s3], $0x80, $0x38;
	[tilespmem:$0x10280] =	vst v63  }
0x69: {  	s7 =	sadd.s32 s13, s7;
	s8 =	sand.u32 $0x1FFFFFF0, s20;
	s29 =	spop (v2sf)  }
0x6a: {  	(v2sf) =	vpush v1, $0xC;
	[tilespmem:s19], [sflag:$0x1] =	stream.linear.gather [hbm4b:s7+s3], $0x80, $0x38;
	[tilespmem:$0x10280] =	vst v63  }
0x6b: {  	s26 =	sand.u32 $0x1FFFFFF0, s21;
	s23 =	sadd.s32 s4, s8;
	s10 =	spop (v2sf)  }
0x6c: {  	[tilespmem:s22], [sflag:$0x1] =	stream.linear.gather [hbm4b:s23+s3], $0x80, $0x38;
	[tilespmem:$0x10280] =	vst v63  }
0x6d: {  	s8 =	sadd.s32 s13, s26;
	s7 =	sand.u32 $0x1FFFFFF0, s29;
	s14 =	spop (v2sf)  }
0x6e: {  	[tilespmem:s2], [sflag:$0x1] =	stream.linear.gather [hbm4b:s8+s3], $0x80, $0x38;
	[tilespmem:$0x10280] =	vst v63  }
0x6f: {  	s7 =	sadd.s32 s4, s7;
	s17 =	sand.u32 $0x1FFFFFF0, s14;
	s8 =	sand.u32 $0x1FFFFFF0, s10  }
0x70: {  	[tilespmem:s28], [sflag:$0x1] =	stream.linear.gather [hbm4b:s7+s3], $0x80, $0x38;
	[tilespmem:$0x10280] =	vst v63  }
0x71: {  	s14 =	simm.s32 $0x800;
	s16 =	sadd.s32 s13, s8;
	s18 =	spop (v2sf)  }
0x72: {  	[tilespmem:s1], [sflag:$0x1] =	stream.linear.gather [hbm4b:s16+s3], $0x80, $0x38;
	[tilespmem:$0x10280] =	vst v63  }
0x73: {  	s19 =	sadd.s32 s4, s17;
	s20 =	sand.u32 $0x1FFFFFF0, s18;
	s21 =	spop (v2sf)  }
0x74: {  	(v2sf) =	vpush v2, $0xD;
	[tilespmem:s0], [sflag:$0x1] =	stream.linear.gather [hbm4b:s19+s3], $0x80, $0x38;
	[tilespmem:$0x10280] =	vst v63  }
0x75: {  	s22 =	simm.s32 $0x780;
	(v2sf) =	vpush v1, $0xD;
	s23 =	sadd.s32 s13, s20;
	s26 =	sand.u32 $0x1FFFFFF0, s21  }
0x76: {  	(v2sf) =	vpush v2, $0xE;
	[tilespmem:s22], [sflag:$0x1] =	stream.linear.gather [hbm4b:s23+s3], $0x80, $0x38;
	[tilespmem:$0x10280] =	vst v63  }
0x77: {  	s2 =	simm.s32 $0x900;
	s28 =	sadd.s32 s4, s26;
	(v2sf) =	vpush v1, $0xE;
	s29 =	spop (v2sf)  }
0x78: {  	(v2sf) =	vpush v2, $0xF;
	[tilespmem:s5], [sflag:$0x1] =	stream.linear.gather [hbm4b:s28+s3], $0x80, $0x38;
	[tilespmem:$0x10280] =	vst v63  }
0x79: {  	s10 =	simm.s32 $0x4900;
	s6 =	spop (v2sf);
	(v2sf) =	vpush v1, $0xF;
	s5 =	sand.u32 $0x1FFFFFF0, s29  }
.LBB2_2:
0x7a: {  	_ =	sdelay $0x4  }
0x7b: {  	s5 =	sadd.s32 s13, s5;
	s6 =	sand.u32 $0x1FFFFFF0, s6  }
0x7c: {  	[tilespmem:s14], [sflag:$0x1] =	stream.linear.gather [hbm4b:s5+s3], $0x80, $0x38;
	[tilespmem:$0x10280] =	vst v63  }
0x7d: {  	s23 =	sadd.s32 s4, s6  }
0x7e: {  	[tilespmem:s12], [sflag:$0x1] =	stream.linear.gather [hbm4b:s23+s3], $0x80, $0x38;
	[tilespmem:$0x10280] =	vst v63  }
0x7f: {  	s7 =	spop (v2sf)  }
0x80: {  	s26 =	sand.u32 $0x1FFFFFF0, s7;
	s28 =	spop (v2sf)  }
0x81: {  	s29 =	sadd.s32 s13, s26;
	s0 =	sand.u32 $0x1FFFFFF0, s28;
	s1 =	spop (v2sf)  }
0x82: {  	[tilespmem:s15], [sflag:$0x1] =	stream.linear.gather [hbm4b:s29+s3], $0x80, $0x38;
	[tilespmem:$0x10280] =	vst v63  }
0x83: {  	s8 =	sadd.s32 s4, s0;
	s9 =	sand.u32 $0x1FFFFFF0, s1;
	s12 =	spop (v2sf)  }
0x84: {  	[tilespmem:s11], [sflag:$0x1] =	stream.linear.gather [hbm4b:s8+s3], $0x80, $0x38;
	[tilespmem:$0x10280] =	vst v63  }
0x85: {  	s14 =	sadd.s32 s13, s9;
	s15 =	sand.u32 $0x1FFFFFF0, s12;
	s16 =	spop (v2sf)  }
0x86: {  	[tilespmem:s2], [sflag:$0x1] =	stream.linear.gather [hbm4b:s14+s3], $0x80, $0x38;
	[tilespmem:$0x10280] =	vst v63  }
0x87: {  	s17 =	sadd.s32 s4, s15;
	s18 =	sand.u32 $0x1FFFFFF0, s16;
	s19 =	spop (v2sf)  }
0x88: {  	[tilespmem:s10], [sflag:$0x1] =	stream.linear.gather [hbm4b:s17+s3], $0x80, $0x38;
	[tilespmem:$0x10280] =	vst v63  }
0x89: {  	s0 =	sadd.s32 $0x980, s24;
	s20 =	sadd.s32 s13, s18;
	s21 =	sand.u32 $0x1FFFFFF0, s19  }
0x8a: {  	[tilespmem:s0], [sflag:$0x1] =	stream.linear.gather [hbm4b:s20+s3], $0x80, $0x38;
	[tilespmem:$0x10280] =	vst v63  }
0x8b: {  	s22 =	sadd.s32 $0x4980, s24;
	s23 =	sadd.s32 s4, s21  }
0x8c: {  	[tilespmem:s22], [sflag:$0x1] =	stream.linear.gather [hbm4b:s23+s3], $0x80, $0x38;
	[tilespmem:$0x10280] =	vst v63  }
0x8d: {  	v1 =	vld [tilespmem:s30+$0x0]  }
0x8e: {  	v3 =	vld [tilespmem:s31+$0x0];
	_ =	sdelay $0x3  }
0x8f: {  	v2 =	vshll.u32 v1, $0x4  }
0x90: {  	v1 =	vshll.u32 v3, $0x4;
	(v2sf) =	vpush v2, $0x0  }
0x91: {  	s24 =	smov.u32 s25;
	(v2sf) =	vpush v1, $0x0  }
0x92: {  	p0 =	sne.s32 s25, $0xE000;
	s25 =	sadd.s32 $0x2000, s25;
	s24 =	sshra.s32 s24, $0x2;
	(v2sf) =	vpush v2, $0x1  }
0x93: {  	s9 =	sadd.s32 $0x480, s24;
	s26 =	sadd.s32 $0x4700, s24;
	s15 =	sadd.s32 $0x4380, s24  }
0x94: {  	s28 =	sadd.s32 $0x4800, s24;
	s16 =	sadd.s32 $0x300, s24;
	s8 =	smov.u32 s13;
	(v2sf) =	vpush v1, $0x1  }
0x95: {  	s5 =	sadd.s32 $0x880, s24;
	s29 =	sadd.s32 $0x4780, s24;
	[dreg:$0x5] =	wrdreg s26;
	(v2sf) =	vpush v2, $0x2  }
0x96: {  	s1 =	sadd.s32 $0x4880, s24;
	s12 =	sadd.s32 $0x4500, s24;
	[dreg:$0xb] =	wrdreg s28  }
0x97: {  	s6 =	sadd.s32 $0x700, s24;
	s11 =	sadd.s32 $0x580, s24;
	[dreg:$0x6] =	wrdreg s29;
	(v2sf) =	vpush v1, $0x2  }
0x98: {  	s7 =	sadd.s32 $0x4600, s24;
	s13 =	sadd.s32 $0x4400, s24;
	[dreg:$0xc] =	wrdreg s1  }
0x99: {  	s26 =	sadd.s32 $0x4300, s24;
	s19 =	sadd.s32 $0x4480, s24;
	[dreg:$0x8] =	wrdreg s6  }
0x9a: {  	s18 =	sadd.s32 $0x500, s24;
	[dreg:$0xa] =	wrdreg s7;
	s1 =	sadd.s32 $0x280, s24  }
0x9b: {  	s7 =	sadd.s32 $0x4580, s24;
	s6 =	sadd.s32 $0x780, s24;
	s2 =	sadd.s32 $0x4680, s24;
	(v2sf) =	vpush v2, $0x3  }
0x9c: {  	s21 =	sadd.s32 $0x4280, s24;
	s14 =	sadd.s32 $0x800, s24;
	[dreg:$0x9] =	wrdreg s2  }
0x9d: {  	s2 =	sadd.s32 $0x900, s24;
	s17 =	sadd.s32 $0x380, s24;
	s10 =	sadd.s32 $0x600, s24;
	(v2sf) =	vpush v1, $0x3  }
0x9e: {  	[dreg:$0xd] =	wrdreg s10;
	s10 =	sadd.s32 $0x4900, s24;
	s0 =	sadd.s32 $0x680, s24  }
0x9f: {  	s20 =	sadd.s32 $0x4200, s24;
	[dreg:$0x7] =	wrdreg s0;
	(v2sf) =	vpush v2, $0x4;
	s28 =	spop (v2sf)  }
0xa0: {  	s22 =	sadd.s32 $0x200, s24;
	s28 =	sand.u32 $0x1FFFFFF0, s28;
	s29 =	spop (v2sf)  }
0xa1: {  	(v2sf) =	vpush v1, $0x4;
	s28 =	sadd.s32 s8, s28;
	s29 =	sand.u32 $0x1FFFFFF0, s29;
	s0 =	spop (v2sf)  }
0xa2: {  	[tilespmem:s22], [sflag:$0x1] =	stream.linear.gather [hbm4b:s28+s3], $0x80, $0x38;
	[tilespmem:$0x10280] =	vst v63  }
0xa3: {  	(v2sf) =	vpush v2, $0x5;
	s22 =	sadd.s32 s4, s29;
	s0 =	sand.u32 $0x1FFFFFF0, s0;
	s29 =	spop (v2sf)  }
0xa4: {  	(v2sf) =	vpush v1, $0x5;
	s0 =	sadd.s32 s8, s0;
	s28 =	sand.u32 $0x1FFFFFF0, s29;
	s29 =	spop (v2sf)  }
0xa5: {  	[tilespmem:s20], [sflag:$0x1] =	stream.linear.gather [hbm4b:s22+s3], $0x80, $0x38;
	[tilespmem:$0x10280] =	vst v63  }
0xa6: {  	(v2sf) =	vpush v2, $0x6;
	s20 =	sadd.s32 s4, s28;
	s28 =	sand.u32 $0x1FFFFFF0, s29;
	s29 =	spop (v2sf)  }
0xa7: {  	(v2sf) =	vpush v1, $0x6;
	[tilespmem:s1], [sflag:$0x1] =	stream.linear.gather [hbm4b:s0+s3], $0x80, $0x38;
	[tilespmem:$0x10280] =	vst v63  }
0xa8: {  	s23 =	sadd.s32 $0x400, s24;
	s30 =	sadd.s32 $0x10, s30;
	s31 =	sadd.s32 $0x10, s31  }
0xa9: {  	[tilespmem:s21], [sflag:$0x1] =	stream.linear.gather [hbm4b:s20+s3], $0x80, $0x38;
	[tilespmem:$0x10280] =	vst v63  }
0xaa: {  	s22 =	sadd.s32 s8, s28;
	s28 =	sand.u32 $0x1FFFFFF0, s29;
	s29 =	spop (v2sf)  }
0xab: {  	(v2sf) =	vpush v2, $0x7;
	[tilespmem:s16], [sflag:$0x1] =	stream.linear.gather [hbm4b:s22+s3], $0x80, $0x38;
	[tilespmem:$0x10280] =	vst v63  }
0xac: {  	s21 =	sand.u32 $0x1FFFFFF0, s29;
	s16 =	sadd.s32 s4, s28;
	s22 =	spop (v2sf)  }
0xad: {  	(v2sf) =	vpush v1, $0x7;
	[tilespmem:s26], [sflag:$0x1] =	stream.linear.gather [hbm4b:s16+s3], $0x80, $0x38;
	[tilespmem:$0x10280] =	vst v63  }
0xae: {  	s28 =	sand.u32 $0x1FFFFFF0, s22;
	s29 =	spop (v2sf);
	s26 =	sadd.s32 s8, s21  }
0xaf: {  	(v2sf) =	vpush v2, $0x8;
	[tilespmem:s17], [sflag:$0x1] =	stream.linear.gather [hbm4b:s26+s3], $0x80, $0x38;
	[tilespmem:$0x10280] =	vst v63  }
0xb0: {  	s1 =	sadd.s32 s4, s28;
	s16 =	sand.u32 $0x1FFFFFF0, s29;
	s17 =	spop (v2sf)  }
0xb1: {  	[tilespmem:s15], [sflag:$0x1] =	stream.linear.gather [hbm4b:s1+s3], $0x80, $0x38;
	[tilespmem:$0x10280] =	vst v63  }
0xb2: {  	s20 =	sadd.s32 s8, s16;
	s21 =	sand.u32 $0x1FFFFFF0, s17;
	s22 =	spop (v2sf)  }
0xb3: {  	(v2sf) =	vpush v1, $0x8;
	s15 =	smov.u32 s5;
	s26 =	sadd.s32 s4, s21;
	s29 =	spop (v2sf)  }
0xb4: {  	(v2sf) =	vpush v2, $0x9;
	[tilespmem:s23], [sflag:$0x1] =	stream.linear.gather [hbm4b:s20+s3], $0x80, $0x38;
	[tilespmem:$0x10280] =	vst v63  }
0xb5: {  	s28 =	sand.u32 $0x1FFFFFF0, s22;
	s17 =	sand.u32 $0x1FFFFFF0, s29;
	s20 =	spop (v2sf)  }
0xb6: {  	(v2sf) =	vpush v1, $0x9;
	s16 =	sadd.s32 s8, s28;
	s21 =	sadd.s32 s4, s17;
	s23 =	spop (v2sf)  }
0xb7: {  	[tilespmem:s13], [sflag:$0x1] =	stream.linear.gather [hbm4b:s26+s3], $0x80, $0x38;
	[tilespmem:$0x10280] =	vst v63  }
0xb8: {  	s22 =	sand.u32 $0x1FFFFFF0, s20;
	s13 =	smov.u32 s8;
	s28 =	sand.u32 $0x1FFFFFF0, s23  }
0xb9: {  	[tilespmem:s9], [sflag:$0x1] =	stream.linear.gather [hbm4b:s16+s3], $0x80, $0x38;
	[tilespmem:$0x10280] =	vst v63  }
0xba: {  	(v2sf) =	vpush v2, $0xA;
	s26 =	sadd.s32 s8, s22;
	s29 =	spop (v2sf);
	s5 =	sadd.s32 s4, s28  }
0xbb: {  	[tilespmem:s19], [sflag:$0x1] =	stream.linear.gather [hbm4b:s21+s3], $0x80, $0x38;
	[tilespmem:$0x10280] =	vst v63  }
0xbc: {  	(v2sf) =	vpush v1, $0xA;
	s9 =	sand.u32 $0x1FFFFFF0, s29;
	s29 =	rddreg [dreg:$0xd];
	s16 =	spop (v2sf)  }
0xbd: {  	[tilespmem:s18], [sflag:$0x1] =	stream.linear.gather [hbm4b:s26+s3], $0x80, $0x38;
	[tilespmem:$0x10280] =	vst v63  }
0xbe: {  	(v2sf) =	vpush v2, $0xB;
	s17 =	sadd.s32 s8, s9;
	s18 =	sand.u32 $0x1FFFFFF0, s16;
	s19 =	spop (v2sf)  }
0xbf: {  	[tilespmem:s12], [sflag:$0x1] =	stream.linear.gather [hbm4b:s5+s3], $0x80, $0x38;
	[tilespmem:$0x10280] =	vst v63  }
0xc0: {  	s20 =	sadd.s32 s4, s18;
	s21 =	sand.u32 $0x1FFFFFF0, s19;
	s18 =	rddreg [dreg:$0xa]  }
0xc1: {  	[tilespmem:s11], [sflag:$0x1] =	stream.linear.gather [hbm4b:s17+s3], $0x80, $0x38;
	[tilespmem:$0x10280] =	vst v63  }
0xc2: {  	(v2sf) =	vpush v1, $0xB;
	s12 =	rddreg [dreg:$0xb];
	s23 =	sadd.s32 s8, s21;
	s22 =	spop (v2sf)  }
0xc3: {  	(v2sf) =	vpush v2, $0xC;
	s11 =	rddreg [dreg:$0xc];
	s26 =	sand.u32 $0x1FFFFFF0, s22;
	s28 =	spop (v2sf)  }
0xc4: {  	[tilespmem:s7], [sflag:$0x1] =	stream.linear.gather [hbm4b:s20+s3], $0x80, $0x38;
	[tilespmem:$0x10280] =	vst v63  }
0xc5: {  	(v2sf) =	vpush v1, $0xC;
	s22 =	rddreg [dreg:$0x7];
	s16 =	sand.u32 $0x1FFFFFF0, s28;
	s17 =	spop (v2sf)  }
0xc6: {  	[tilespmem:s29], [sflag:$0x1] =	stream.linear.gather [hbm4b:s23+s3], $0x80, $0x38;
	[tilespmem:$0x10280] =	vst v63  }
0xc7: {  	s7 =	sadd.s32 s4, s26;
	s19 =	sadd.s32 s8, s16;
	s20 =	sand.u32 $0x1FFFFFF0, s17  }
0xc8: {  	[tilespmem:s18], [sflag:$0x1] =	stream.linear.gather [hbm4b:s7+s3], $0x80, $0x38;
	[tilespmem:$0x10280] =	vst v63  }
0xc9: {  	s21 =	spop (v2sf);
	s17 =	rddreg [dreg:$0x8];
	s23 =	sadd.s32 s4, s20  }
0xca: {  	[tilespmem:s22], [sflag:$0x1] =	stream.linear.gather [hbm4b:s19+s3], $0x80, $0x38;
	[tilespmem:$0x10280] =	vst v63  }
0xcb: {  	s26 =	sand.u32 $0x1FFFFFF0, s21;
	s28 =	spop (v2sf);
	s29 =	rddreg [dreg:$0x9]  }
0xcc: {  	[tilespmem:s29], [sflag:$0x1] =	stream.linear.gather [hbm4b:s23+s3], $0x80, $0x38;
	[tilespmem:$0x10280] =	vst v63  }
0xcd: {  	s9 =	sand.u32 $0x1FFFFFF0, s28;
	s16 =	spop (v2sf);
	s7 =	sadd.s32 s8, s26  }
0xce: {  	[tilespmem:s17], [sflag:$0x1] =	stream.linear.gather [hbm4b:s7+s3], $0x80, $0x38;
	[tilespmem:$0x10280] =	vst v63  }
0xcf: {  	s21 =	rddreg [dreg:$0x5];
	s18 =	sadd.s32 s4, s9;
	s19 =	sand.u32 $0x1FFFFFF0, s16  }
0xd0: {  	(v2sf) =	vpush v2, $0xD;
	[tilespmem:s21], [sflag:$0x1] =	stream.linear.gather [hbm4b:s18+s3], $0x80, $0x38;
	[tilespmem:$0x10280] =	vst v63  }
.Ltmp0:
0xd1: {  	(v2sf) =	vpush v1, $0xD;
	s22 =	sadd.s32 s8, s19;
	s20 =	spop (v2sf);
	(pc) =	sbr.rel @p0 .LBB2_2-.Ltmp0, $4  }
0xd2: {  	(v2sf) =	vpush v2, $0xE;
	s29 =	rddreg [dreg:$0x6];
	s23 =	sand.u32 $0x1FFFFFF0, s20;
	s26 =	spop (v2sf)  }
0xd3: {  	(v2sf) =	vpush v1, $0xE;
	[tilespmem:s6], [sflag:$0x1] =	stream.linear.gather [hbm4b:s22+s3], $0x80, $0x38;
	[tilespmem:$0x10280] =	vst v63  }
0xd4: {  	(v2sf) =	vpush v2, $0xF;
	s28 =	sadd.s32 s4, s23;
	s5 =	sand.u32 $0x1FFFFFF0, s26;
	s6 =	spop (v2sf)  }
0xd5: {  	(v2sf) =	vpush v1, $0xF;
	[tilespmem:s29], [sflag:$0x1] =	stream.linear.gather [hbm4b:s28+s3], $0x80, $0x38;
	[tilespmem:$0x10280] =	vst v63  }
0xd6: {  	_ =	sdelay $0x4  }
0xd7: {  	s0 =	sadd.s32 s13, s5;
	s1 =	sand.u32 $0x1FFFFFF0, s6  }
0xd8: {  	[tilespmem:s14], [sflag:$0x1] =	stream.linear.gather [hbm4b:s0+s3], $0x80, $0x38;
	[tilespmem:$0x10280] =	vst v63  }
0xd9: {  	s1 =	sadd.s32 s4, s1  }
0xda: {  	[tilespmem:s12], [sflag:$0x1] =	stream.linear.gather [hbm4b:s1+s3], $0x80, $0x38;
	[tilespmem:$0x10280] =	vst v63  }
0xdb: {  	s31 =	spop (v2sf)  }
0xdc: {  	s6 =	sand.u32 $0x1FFFFFF0, s31;
	s7 =	spop (v2sf)  }
0xdd: {  	s8 =	sadd.s32 s13, s6;
	s9 =	sand.u32 $0x1FFFFFF0, s7;
	s12 =	spop (v2sf)  }
0xde: {  	[tilespmem:s15], [sflag:$0x1] =	stream.linear.gather [hbm4b:s8+s3], $0x80, $0x38;
	[tilespmem:$0x10280] =	vst v63  }
0xdf: {  	s14 =	sadd.s32 s4, s9;
	s15 =	sand.u32 $0x1FFFFFF0, s12;
	s16 =	spop (v2sf)  }
0xe0: {  	[tilespmem:s11], [sflag:$0x1] =	stream.linear.gather [hbm4b:s14+s3], $0x80, $0x38;
	[tilespmem:$0x10280] =	vst v63  }
0xe1: {  	s17 =	sadd.s32 s13, s15;
	s18 =	sand.u32 $0x1FFFFFF0, s16;
	s19 =	spop (v2sf)  }
0xe2: {  	[tilespmem:s2], [sflag:$0x1] =	stream.linear.gather [hbm4b:s17+s3], $0x80, $0x38;
	[tilespmem:$0x10280] =	vst v63  }
0xe3: {  	s20 =	sadd.s32 s4, s18;
	s21 =	sand.u32 $0x1FFFFFF0, s19;
	s22 =	spop (v2sf)  }
0xe4: {  	[tilespmem:s10], [sflag:$0x1] =	stream.linear.gather [hbm4b:s20+s3], $0x80, $0x38;
	[tilespmem:$0x10280] =	vst v63  }
0xe5: {  	s23 =	sadd.s32 $0x980, s24;
	s1 =	sadd.s32 s13, s21;
	s2 =	sand.u32 $0x1FFFFFF0, s22  }
0xe6: {  	[tilespmem:s23], [sflag:$0x1] =	stream.linear.gather [hbm4b:s1+s3], $0x80, $0x38;
	[tilespmem:$0x10280] =	vst v63  }
0xe7: {  	s25 =	sadd.s32 $0x4980, s24;
	s28 =	simm.s32 $0x1;
	s26 =	sadd.s32 s4, s2  }
0xe8: {  	[tilespmem:s25], [sflag:$0x1] =	stream.linear.gather [hbm4b:s26+s3], $0x80, $0x38;
	[tilespmem:$0x10280] =	vst v63  }
0xe9: {  	_ =	swait.ge [sflag:s28], $0x4000  }
0xea: {  	[sflag:s28] =	ssyncset.done $0x0  }
0xeb: {  	[sflag:s28] =	ssyncadd.s32 $0xFFFFC000  }
0xec: {  	_ =	swait.ge [sflag:s28], $0x4000  }
0xed: {  	[sflag:s28] =	ssyncset.done $0x0  }
0xee: {  	s29 =	simm.s32 $0x2;
	[sflag:s28] =	ssyncadd.s32 $0xFFFFC000  }
0xef: {  	_ =	swait.ge [sflag:s29], $0x4000  }
0xf0: {  	[sflag:s29] =	ssyncset.done $0x0  }
0xf1: {  	[sflag:s29] =	ssyncadd.s32 $0xFFFFC000  }
0xf2: {  	_ =	swait.ge [sflag:s29], $0x4000  }
0xf3: {  	[sflag:s29] =	ssyncset.done $0x0  }
0xf4: {  	s30 =	simm.s32 $0x0;
	[sflag:s29] =	ssyncadd.s32 $0xFFFFC000  }
0xf5: {  	s31 =	simm.s32 $0x80;
	v1 =	vld [tilespmem:s30+$0x0]  }
0xf6: {  	v2 =	vld [tilespmem:s31+$0x0];
	_ =	sdelay $0x1  }
0xf7: {  	v3 =	vmov s30  }
0xf8: {  	v3 =	vshll.u32 v3, $0x7  }
0xf9: {  	v3 =	vor.u32 v0, v3;
	v1 =	vand.u32 $0x7F, v1  }
0xfa: {  	v2 =	vand.u32 $0x7F, v2;
	v1 =	vor.u32 v3, v1  }
0xfb: {  	v2 =	vor.u32 v3, v2;
	_ =	sdelay $0x2  }
0xfc: {  	s8 =	simm.s32 $0x8200  }
0xfd: {  	s9 =	simm.s32 $0xC200;
	v1 =	vld.idx.msk [tilespmem:v1+s8+$0x0], $0xffff  }
0xfe: {  	v2 =	vld.idx.msk [tilespmem:v2+s9+$0x0], $0xffff;
	_ =	sdelay $0x4  }
0xff: {  	v1 =	vadd.f32 v2, v1  }
0x100: {  	s0 =	simm.s32 $0x10200  }
0x101: {  	s2 =	simm.s32 $0x10;
	[tilespmem:s0+$0x0] =	vst v1  }
0x102: {  	s5 =	simm.s32 $0x90;
	v2 =	vld [tilespmem:s2+$0x0]  }
0x103: {  	s6 =	simm.s32 $0x20;
	s7 =	simm.s32 $0x10;
	v1 =	vld [tilespmem:s5+$0x0]  }
.LBB2_4:
0x104: {  	p0 =	sne.s32 s6, $0x70  }
0x105: {  	v3 =	vmov s2;
	s2 =	smov.u32 s6  }
0x106: {  	v3 =	vshll.u32 v3, $0x7  }
0x107: {  	v3 =	vor.u32 v0, v3;
	v2 =	vand.u32 $0x7F, v2  }
0x108: {  	v2 =	vor.u32 v3, v2;
	v1 =	vand.u32 $0x7F, v1  }
0x109: {  	v1 =	vor.u32 v3, v1;
	_ =	sdelay $0x3  }
0x10a: {  	v2 =	vld.idx.msk [tilespmem:v2+s8+$0x0], $0xffff  }
0x10b: {  	v1 =	vld.idx.msk [tilespmem:v1+s9+$0x0], $0xffff;
	_ =	sdelay $0x5  }
.Ltmp1:
0x10c: {  	v1 =	vadd.f32 v1, v2;
	(pc) =	sbr.rel @p0 .LBB2_4-.Ltmp1, $4  }
0x10d: {  	s0 =	sadd.s32 $0x10, s0  }
0x10e: {  	s7 =	sadd.s32 $0x10, s7;
	[tilespmem:s0+$0x0] =	vst v1  }
0x10f: {  	s5 =	sadd.s32 $0x10, s5;
	v2 =	vld [tilespmem:s7+$0x0]  }
0x110: {  	s6 =	sadd.s32 $0x10, s6;
	v1 =	vld [tilespmem:s5+$0x0]  }
0x111: {  	_ = 	snop  }
0x112: {  	v3 =	vmov s2  }
0x113: {  	v3 =	vshll.u32 v3, $0x7  }
0x114: {  	v3 =	vor.u32 v0, v3;
	v2 =	vand.u32 $0x7F, v2  }
0x115: {  	v2 =	vor.u32 v3, v2;
	v1 =	vand.u32 $0x7F, v1  }
0x116: {  	v1 =	vor.u32 v3, v1;
	_ =	sdelay $0x3  }
0x117: {  	v2 =	vld.idx.msk [tilespmem:v2+s8+$0x0], $0xffff  }
0x118: {  	v1 =	vld.idx.msk [tilespmem:v1+s9+$0x0], $0xffff;
	_ =	sdelay $0x4  }
0x119: {  	v1 =	vadd.f32 v1, v2  }
0x11a: {  	s0 =	sadd.s32 $0x10, s0  }
0x11b: {  	s24 =	rddreg [dreg:$0x12];
	s1 =	simm.s32 $0x200;
	s2 =	simm.s32 $0x3;
	[tilespmem:s0+$0x0] =	vst v1  }
0x11c: {  	[hbm4b:s24+s3] =	stream.linear.scatter [tilespmem:s1], [sflag:$0x3], $0x4000, $0x38;
	[tilespmem:$0x10280] =	vst v63  }
0x11d: {  	_ =	swait.ge [sflag:s2], $0x4000  }
0x11e: {  	[sflag:s2] =	ssyncset.done $0x0  }
0x11f: {  	s26 =	simm.s32 $0x4200;
	s25 =	rddreg [dreg:$0x13];
	[sflag:s2] =	ssyncadd.s32 $0xFFFFC000  }
0x120: {  	[hbm4b:s25+s3] =	stream.linear.scatter [tilespmem:s26], [sflag:$0x3], $0x4000, $0x38;
	[tilespmem:$0x10280] =	vst v63  }
0x121: {  	_ =	swait.ge [sflag:s2], $0x4000  }
0x122: {  	[sflag:s2] =	ssyncset.done $0x0  }
0x123: {  	s29 =	simm.s32 $0x10200;
	s28 =	rddreg [dreg:$0x14];
	[sflag:s2] =	ssyncadd.s32 $0xFFFFC000  }
0x124: {  	[hbm4b:s28+s3] =	stream.linear.scatter [tilespmem:s29], [sflag:$0x3], $0x80, $0x38;
	[tilespmem:$0x10280] =	vst v63  }
0x125: {  	_ =	swait.ge [sflag:s2], $0x80  }
0x126: {  	s30 =	rddreg [dreg:$0x16]  }
0x127: {  	s31 =	rddreg [dreg:$0x15];
	s1 =	sadd.s32 $0x1, s30  }
0x128: {  	p0 =	sne.s32 s1, s31  }
.Ltmp2:
0x129: {  	_ = 	snop;
	(pc) =	sbr.rel @p0 .LBB2_1-.Ltmp2, $3  }
0x12a: {  	_ =	sdelay $0x1  }
0x12b: {  	[sflag:s2] =	ssyncset.done $0x0  }
0x12c: {  	[sflag:s2] =	ssyncadd.s32 $0xFFFFFF80  }
0x12d: {  	_ =	sfence.sel $0x180000  }
0x12e: {  	[bflag:$0x0] =	sbarrier.arrive $0xFFFF  }
0x12f: {  	_ =	strace $0x90000047  }
0x130: {  	s0 =	stileid.u32;
	[bflag:$0x2] =	sbarrier.arrive $0xFFFF  }
0x131: {  	p0 =	sne.s32 s0, $0x0;
	s0 =	rddreg [dreg:$0x4]  }
0x132: {  	s0 =	sadd.s32 @!p0 $0x100000, s0  }
0x133: {  	[sflag:s0] =	ssyncadd.tile.s32 @!p0 $0x1;
	_ =	shalt  }
.Lfunc_end2:
_tile_overlayer_lowered:
.L_overlay_start_2:
0x134: {  	(tag) =	ssettag $0x2  }
0x135: {  	s0 =	rddreg [dreg:$0x0];
	s2 =	stileid.u32  }
0x136: {  	s1 =	rddreg [dreg:$0x1];
	p0 =	sne.s32 s2, $0x0  }
0x137: {  	s3 =	rddreg [dreg:$0x2];
	[bflag:$0x3] =	sbarrier.arrive $0xFFFF;
	s2 =	simm.s32 @!p0 $0x1C03  }
0x138: {  	[timem:s3], [sflag:s2] =	dma.local @!p0 [hbm:s0], s1  }
0x139: {  	s0 =	simm.s32 @!p0 $0x3  }
0x13a: {  	_ =	swait.ge @!p0 [sflag:s0], s1  }
0x13b: {  	s1 =	ssub.s32 @!p0 $0x0, s1;
	[sflag:s0] =	ssyncset.done @!p0 $0x0  }
0x13c: {  	[sflag:s0] =	ssyncadd.s32 @!p0 s1  }
0x13d: {  	[bflag:$0x3] =	sbarrier.arrive $0xFFFF  }
0x13e: {  	_ =	shalt  }

</sc_bundles>
